<compile_context>
chip_gen: v7x
topology: tpu7x:2x2x1
jax: 0.10.2.dev20260603
libtpu: 0.0.44.dev20260713+nightly
codegen_flags: <defaults>
</compile_context>

<pallas_src>
import jax
import jax.numpy as jnp
from jax import lax
from jax.experimental import pallas as pl
from jax.experimental.pallas import tpu as pltpu
from jax.experimental.pallas import tpu_sc as plsc

_N = 100000
_B = 16384
_NC = 2
_NS = 16
_NW = _NC * _NS
_BPW = _B // _NW
_CHUNK = 128
_L = 16
_NG = _CHUNK // _L
_NJ = _BPW // _CHUNK


def _gather_body(rot_hbm, tr_hbm, f_hbm, pp_hbm, idx_hbm,
                 r_out, t_out, ff_out, pps_out,
                 idx_v, iy, iz, r_v, t_v, f_v, pp_v, sem, sem_out):
    wid = lax.axis_index("s") * _NC + lax.axis_index("c")
    base = wid * _BPW

    stage = [pltpu.async_copy(idx_hbm.at[pl.ds(base + j * _CHUNK, _CHUNK)],
                              idx_v.at[j], sem)
             for j in range(_NJ)]
    for c in stage:
        c.wait()
    for j in range(_NJ):
        for g in range(_NG):
            s = pl.ds(g * _L, _L)
            v = idx_v[j, s]
            iy[j, s] = v + _N
            iz[j, s] = v + 2 * _N

    for j in range(_NJ):
        o = j * _CHUNK
        for ilist, cat, c in ((idx_v, r_v, 0), (iy, r_v, 1), (iz, r_v, 2)):
            pltpu.async_copy(rot_hbm.at[ilist.at[j]],
                             cat.at[pl.ds(c * _BPW + o, _CHUNK)], sem)
        for ilist, cat, c in ((idx_v, t_v, 0), (iy, t_v, 1), (iz, t_v, 2)):
            pltpu.async_copy(tr_hbm.at[ilist.at[j]],
                             cat.at[pl.ds(c * _BPW + o, _CHUNK)], sem)
        for ilist, c in ((idx_v, 0), (iy, 1)):
            pltpu.async_copy(pp_hbm.at[ilist.at[j]],
                             pp_v.at[pl.ds(c * _BPW + o, _CHUNK)], sem)
        pltpu.async_copy(f_hbm.at[idx_v.at[j]],
                         f_v.at[pl.ds(o, _CHUNK)], sem)

    pltpu.make_async_copy(rot_hbm.at[pl.ds(0, _BPW * 3)], r_v, sem).wait()
    pltpu.make_async_copy(tr_hbm.at[pl.ds(0, _BPW * 3)], t_v, sem).wait()
    pltpu.make_async_copy(f_hbm.at[pl.ds(0, _BPW)], f_v, sem).wait()
    pltpu.make_async_copy(pp_hbm.at[pl.ds(0, _BPW * 2)], pp_v, sem).wait()

    out = []
    for c in range(3):
        out.append(pltpu.async_copy(r_v.at[pl.ds(c * _BPW, _BPW)],
                                    r_out.at[pl.ds(c * _B + base, _BPW)],
                                    sem_out))
        out.append(pltpu.async_copy(t_v.at[pl.ds(c * _BPW, _BPW)],
                                    t_out.at[pl.ds(c * _B + base, _BPW)],
                                    sem_out))
    for c in range(2):
        out.append(pltpu.async_copy(pp_v.at[pl.ds(c * _BPW, _BPW)],
                                    pps_out.at[pl.ds(c * _B + base, _BPW)],
                                    sem_out))
    out.append(pltpu.async_copy(f_v, ff_out.at[pl.ds(base, _BPW)], sem_out))
    for c in out:
        c.wait()


def kernel(rotvecs, translations, f, pp, camera_idxs):
    idxf = camera_idxs.astype(jnp.int32)
    mesh = plsc.VectorSubcoreMesh(core_axis_name="c", subcore_axis_name="s")
    run = pl.kernel(
        _gather_body,
        out_type=(
            jax.ShapeDtypeStruct((_B * 3,), jnp.float32),
            jax.ShapeDtypeStruct((_B * 3,), jnp.float32),
            jax.ShapeDtypeStruct((_B,), jnp.float32),
            jax.ShapeDtypeStruct((_B * 2,), jnp.float32),
        ),
        mesh=mesh,
        scratch_types=[
            pltpu.VMEM((_NJ, _CHUNK), jnp.int32),
            pltpu.VMEM((_NJ, _CHUNK), jnp.int32),
            pltpu.VMEM((_NJ, _CHUNK), jnp.int32),
            pltpu.VMEM((_BPW * 3,), jnp.float32),
            pltpu.VMEM((_BPW * 3,), jnp.float32),
            pltpu.VMEM((_BPW,), jnp.float32),
            pltpu.VMEM((_BPW * 2,), jnp.float32),
            pltpu.SemaphoreType.DMA,
            pltpu.SemaphoreType.DMA,
        ],
    )
    rT, tT, ff, pT = run(rotvecs.T.reshape(-1), translations.T.reshape(-1),
                         f, pp.T.reshape(-1), idxf)
    r = rT.reshape(3, _B).T
    t = tT.reshape(3, _B).T
    pps = pT.reshape(2, _B).T
    return (r, t, ff, pps)

# --- scband reference (transcript-rebuilt; emitter-appended) ---
"""Pipeline reference for scband-camera-parameters-51926154608966 (READ-ONLY COPY).

The authoritative reference and input builder live on the scoring server;
editing this copy changes nothing except your own understanding.
"""

import jax, jax.numpy as jnp
import numpy as np

N_CAM = 100000
B = 16384

def setup_inputs(seed: int = 0) -> dict:
    key = jax.random.key(seed)
    k1, k2, k3, k4, k5 = jax.random.split(key, 5)
    rotvecs = jax.random.normal(k1, (N_CAM, 3), dtype=jnp.float32)
    translations = jax.random.normal(k2, (N_CAM, 3), dtype=jnp.float32)
    f = jax.random.uniform(k3, (N_CAM,), dtype=jnp.float32, minval=500.0, maxval=2000.0)
    pp = jax.random.uniform(k4, (N_CAM, 2), dtype=jnp.float32, minval=0.0, maxval=1024.0)
    camera_idxs = jax.random.randint(k5, (B,), 0, N_CAM, dtype=jnp.int64 if jax.config.jax_enable_x64 else jnp.int32)
    return {"rotvecs": rotvecs, "translations": translations, "f": f, "pp": pp, "camera_idxs": camera_idxs}

def reference(rotvecs, translations, f, pp, camera_idxs):
    # CameraParameters.get_tensors: multi-table embedding gather by camera index
    r = jnp.take(rotvecs, camera_idxs, axis=0)
    t = jnp.take(translations, camera_idxs, axis=0)
    ff = jnp.take(f, camera_idxs, axis=0)
    pps = jnp.take(pp, camera_idxs, axis=0)
    return (r, t, ff, pps)

if __name__ == "__main__":
    import jax
    _d = setup_inputs()
    print(jax.jit(kernel)(*tuple(_d.values())))

</pallas_src>

<mosaic_0001>
#map = affine_map<(d0, d1) -> (0)>
module attributes {stable_mosaic.version = 14 : i64} {
  func.func @_gather_body(%arg0: i32, %arg1: i32, %arg2: memref<300000xf32, #tpu.memory_space<hbm>>, %arg3: memref<300000xf32, #tpu.memory_space<hbm>>, %arg4: memref<100000xf32, #tpu.memory_space<hbm>>, %arg5: memref<200000xf32, #tpu.memory_space<hbm>>, %arg6: memref<16384xi32, #tpu.memory_space<hbm>>, %arg7: memref<49152xf32, #tpu.memory_space<hbm>>, %arg8: memref<49152xf32, #tpu.memory_space<hbm>>, %arg9: memref<16384xf32, #tpu.memory_space<hbm>>, %arg10: memref<32768xf32, #tpu.memory_space<hbm>>, %arg11: memref<4x128xi32, #tpu.memory_space<vmem>>, %arg12: memref<4x128xi32, #tpu.memory_space<vmem>>, %arg13: memref<4x128xi32, #tpu.memory_space<vmem>>, %arg14: memref<1536xf32, #tpu.memory_space<vmem>>, %arg15: memref<1536xf32, #tpu.memory_space<vmem>>, %arg16: memref<512xf32, #tpu.memory_space<vmem>>, %arg17: memref<1024xf32, #tpu.memory_space<vmem>>, %arg18: memref<!tpu.dma_semaphore, #tpu.memory_space<semaphore_mem>>, %arg19: memref<!tpu.dma_semaphore, #tpu.memory_space<semaphore_mem>>) attributes {dimension_semantics = [#tpu.dimension_semantics<core_parallel>, #tpu.dimension_semantics<subcore_parallel>], iteration_bounds = array<i64: 2, 16>, scalar_prefetch = 0 : i64, scratch_operands = 9 : i64, tpu.core_type = #tpu.core_type<sc_vector_subcore>, window_params = [{transform_indices = #map}, {transform_indices = #map}, {transform_indices = #map}, {transform_indices = #map}, {transform_indices = #map}, {transform_indices = #map}, {transform_indices = #map}, {transform_indices = #map}, {transform_indices = #map}]} {
    %mul3A = arith.constant 2 : i32
    %mul3A_0 = arith.muli %arg1, %mul3A : i32
    %add3A = arith.addi %mul3A_0, %arg0 : i32
    %mul3A_1 = arith.constant 512 : i32
    %mul3A_2 = arith.muli %add3A, %mul3A_1 : i32
    %add3A_3 = arith.constant 0 : i32
    %add3A_4 = arith.addi %mul3A_2, %add3A_3 : i32
    %dma_start3A = arith.constant 0 : i32
    %dma_start3A_5 = arith.constant 0 : i32
    %dma_start3A_6 = tpu.memref_slice %arg11[%dma_start3A, %dma_start3A_5] : memref<4x128xi32, #tpu.memory_space<vmem>> -> memref<1x128xi32, #tpu.memory_space<vmem>>
    %dma_start3A_7 = tpu.memref_squeeze %dma_start3A_6 : memref<1x128xi32, #tpu.memory_space<vmem>> -> memref<128xi32, #tpu.memory_space<vmem>>
    %dma_start3A_8 = tpu.memref_slice %arg6[%add3A_4] : memref<16384xi32, #tpu.memory_space<hbm>> -> memref<128xi32, #tpu.memory_space<hbm>>
    %dma_start3A_9 = arith.constant 0 : i32
    %dma_start3A_10 = tpu.memref_slice %arg11[%dma_start3A, %dma_start3A_9] : memref<4x128xi32, #tpu.memory_space<vmem>> -> memref<1x128xi32, #tpu.memory_space<vmem>>
    %dma_start3A_11 = tpu.memref_squeeze %dma_start3A_10 : memref<1x128xi32, #tpu.memory_space<vmem>> -> memref<128xi32, #tpu.memory_space<vmem>>
    %dma_start3A_12 = tpu.memref_slice %arg6[%add3A_4] : memref<16384xi32, #tpu.memory_space<hbm>> -> memref<128xi32, #tpu.memory_space<hbm>>
    tpu.enqueue_dma source(%dma_start3A_12 : memref<128xi32, #tpu.memory_space<hbm>>) target(%dma_start3A_11 : memref<128xi32, #tpu.memory_space<vmem>>) target_semaphore(%arg18 : memref<!tpu.dma_semaphore, #tpu.memory_space<semaphore_mem>>)
    %add3A_13 = arith.constant 128 : i32
    %add3A_14 = arith.addi %mul3A_2, %add3A_13 : i32
    %dma_start3A_15 = arith.constant 1 : i32
    %dma_start3A_16 = arith.constant 0 : i32
    %dma_start3A_17 = tpu.memref_slice %arg11[%dma_start3A_15, %dma_start3A_16] : memref<4x128xi32, #tpu.memory_space<vmem>> -> memref<1x128xi32, #tpu.memory_space<vmem>>
    %dma_start3A_18 = tpu.memref_squeeze %dma_start3A_17 : memref<1x128xi32, #tpu.memory_space<vmem>> -> memref<128xi32, #tpu.memory_space<vmem>>
    %dma_start3A_19 = tpu.memref_slice %arg6[%add3A_14] : memref<16384xi32, #tpu.memory_space<hbm>> -> memref<128xi32, #tpu.memory_space<hbm>>
    %dma_start3A_20 = arith.constant 0 : i32
    %dma_start3A_21 = tpu.memref_slice %arg11[%dma_start3A_15, %dma_start3A_20] : memref<4x128xi32, #tpu.memory_space<vmem>> -> memref<1x128xi32, #tpu.memory_space<vmem>>
    %dma_start3A_22 = tpu.memref_squeeze %dma_start3A_21 : memref<1x128xi32, #tpu.memory_space<vmem>> -> memref<128xi32, #tpu.memory_space<vmem>>
    %dma_start3A_23 = tpu.memref_slice %arg6[%add3A_14] : memref<16384xi32, #tpu.memory_space<hbm>> -> memref<128xi32, #tpu.memory_space<hbm>>
    tpu.enqueue_dma source(%dma_start3A_23 : memref<128xi32, #tpu.memory_space<hbm>>) target(%dma_start3A_22 : memref<128xi32, #tpu.memory_space<vmem>>) target_semaphore(%arg18 : memref<!tpu.dma_semaphore, #tpu.memory_space<semaphore_mem>>)
    %add3A_24 = arith.constant 256 : i32
    %add3A_25 = arith.addi %mul3A_2, %add3A_24 : i32
    %dma_start3A_26 = arith.constant 2 : i32
    %dma_start3A_27 = arith.constant 0 : i32
    %dma_start3A_28 = tpu.memref_slice %arg11[%dma_start3A_26, %dma_start3A_27] : memref<4x128xi32, #tpu.memory_space<vmem>> -> memref<1x128xi32, #tpu.memory_space<vmem>>
    %dma_start3A_29 = tpu.memref_squeeze %dma_start3A_28 : memref<1x128xi32, #tpu.memory_space<vmem>> -> memref<128xi32, #tpu.memory_space<vmem>>
    %dma_start3A_30 = tpu.memref_slice %arg6[%add3A_25] : memref<16384xi32, #tpu.memory_space<hbm>> -> memref<128xi32, #tpu.memory_space<hbm>>
    %dma_start3A_31 = arith.constant 0 : i32
    %dma_start3A_32 = tpu.memref_slice %arg11[%dma_start3A_26, %dma_start3A_31] : memref<4x128xi32, #tpu.memory_space<vmem>> -> memref<1x128xi32, #tpu.memory_space<vmem>>
    %dma_start3A_33 = tpu.memref_squeeze %dma_start3A_32 : memref<1x128xi32, #tpu.memory_space<vmem>> -> memref<128xi32, #tpu.memory_space<vmem>>
    %dma_start3A_34 = tpu.memref_slice %arg6[%add3A_25] : memref<16384xi32, #tpu.memory_space<hbm>> -> memref<128xi32, #tpu.memory_space<hbm>>
    tpu.enqueue_dma source(%dma_start3A_34 : memref<128xi32, #tpu.memory_space<hbm>>) target(%dma_start3A_33 : memref<128xi32, #tpu.memory_space<vmem>>) target_semaphore(%arg18 : memref<!tpu.dma_semaphore, #tpu.memory_space<semaphore_mem>>)
    %add3A_35 = arith.constant 384 : i32
    %add3A_36 = arith.addi %mul3A_2, %add3A_35 : i32
    %dma_start3A_37 = arith.constant 3 : i32
    %dma_start3A_38 = arith.constant 0 : i32
    %dma_start3A_39 = tpu.memref_slice %arg11[%dma_start3A_37, %dma_start3A_38] : memref<4x128xi32, #tpu.memory_space<vmem>> -> memref<1x128xi32, #tpu.memory_space<vmem>>
    %dma_start3A_40 = tpu.memref_squeeze %dma_start3A_39 : memref<1x128xi32, #tpu.memory_space<vmem>> -> memref<128xi32, #tpu.memory_space<vmem>>
    %dma_start3A_41 = tpu.memref_slice %arg6[%add3A_36] : memref<16384xi32, #tpu.memory_space<hbm>> -> memref<128xi32, #tpu.memory_space<hbm>>
    %dma_start3A_42 = arith.constant 0 : i32
    %dma_start3A_43 = tpu.memref_slice %arg11[%dma_start3A_37, %dma_start3A_42] : memref<4x128xi32, #tpu.memory_space<vmem>> -> memref<1x128xi32, #tpu.memory_space<vmem>>
    %dma_start3A_44 = tpu.memref_squeeze %dma_start3A_43 : memref<1x128xi32, #tpu.memory_space<vmem>> -> memref<128xi32, #tpu.memory_space<vmem>>
    %dma_start3A_45 = tpu.memref_slice %arg6[%add3A_36] : memref<16384xi32, #tpu.memory_space<hbm>> -> memref<128xi32, #tpu.memory_space<hbm>>
    tpu.enqueue_dma source(%dma_start3A_45 : memref<128xi32, #tpu.memory_space<hbm>>) target(%dma_start3A_44 : memref<128xi32, #tpu.memory_space<vmem>>) target_semaphore(%arg18 : memref<!tpu.dma_semaphore, #tpu.memory_space<semaphore_mem>>)
    %dma_wait3A = arith.constant 0 : i32
    %dma_wait3A_46 = arith.constant 0 : i32
    %dma_wait3A_47 = tpu.memref_slice %arg11[%dma_wait3A, %dma_wait3A_46] : memref<4x128xi32, #tpu.memory_space<vmem>> -> memref<1x128xi32, #tpu.memory_space<vmem>>
    %dma_wait3A_48 = tpu.memref_squeeze %dma_wait3A_47 : memref<1x128xi32, #tpu.memory_space<vmem>> -> memref<128xi32, #tpu.memory_space<vmem>>
    %dma_wait3A_49 = tpu.memref_slice %arg6[%add3A_4] : memref<16384xi32, #tpu.memory_space<hbm>> -> memref<128xi32, #tpu.memory_space<hbm>>
    %dma_wait3A_50 = arith.constant 0 : i32
    %dma_wait3A_51 = tpu.memref_slice %arg11[%dma_wait3A, %dma_wait3A_50] : memref<4x128xi32, #tpu.memory_space<vmem>> -> memref<1x128xi32, #tpu.memory_space<vmem>>
    %dma_wait3A_52 = tpu.memref_squeeze %dma_wait3A_51 : memref<1x128xi32, #tpu.memory_space<vmem>> -> memref<128xi32, #tpu.memory_space<vmem>>
    %dma_wait3A_53 = tpu.memref_slice %arg6[%add3A_4] : memref<16384xi32, #tpu.memory_space<hbm>> -> memref<128xi32, #tpu.memory_space<hbm>>
    tpu.wait_dma2 semaphore(%arg18 : memref<!tpu.dma_semaphore, #tpu.memory_space<semaphore_mem>>) src(%dma_wait3A_53 : memref<128xi32, #tpu.memory_space<hbm>>) dst(%dma_wait3A_52 : memref<128xi32, #tpu.memory_space<vmem>>)
    %dma_wait3A_54 = arith.constant 1 : i32
    %dma_wait3A_55 = arith.constant 0 : i32
    %dma_wait3A_56 = tpu.memref_slice %arg11[%dma_wait3A_54, %dma_wait3A_55] : memref<4x128xi32, #tpu.memory_space<vmem>> -> memref<1x128xi32, #tpu.memory_space<vmem>>
    %dma_wait3A_57 = tpu.memref_squeeze %dma_wait3A_56 : memref<1x128xi32, #tpu.memory_space<vmem>> -> memref<128xi32, #tpu.memory_space<vmem>>
    %dma_wait3A_58 = tpu.memref_slice %arg6[%add3A_14] : memref<16384xi32, #tpu.memory_space<hbm>> -> memref<128xi32, #tpu.memory_space<hbm>>
    %dma_wait3A_59 = arith.constant 0 : i32
    %dma_wait3A_60 = tpu.memref_slice %arg11[%dma_wait3A_54, %dma_wait3A_59] : memref<4x128xi32, #tpu.memory_space<vmem>> -> memref<1x128xi32, #tpu.memory_space<vmem>>
    %dma_wait3A_61 = tpu.memref_squeeze %dma_wait3A_60 : memref<1x128xi32, #tpu.memory_space<vmem>> -> memref<128xi32, #tpu.memory_space<vmem>>
    %dma_wait3A_62 = tpu.memref_slice %arg6[%add3A_14] : memref<16384xi32, #tpu.memory_space<hbm>> -> memref<128xi32, #tpu.memory_space<hbm>>
    tpu.wait_dma2 semaphore(%arg18 : memref<!tpu.dma_semaphore, #tpu.memory_space<semaphore_mem>>) src(%dma_wait3A_62 : memref<128xi32, #tpu.memory_space<hbm>>) dst(%dma_wait3A_61 : memref<128xi32, #tpu.memory_space<vmem>>)
    %dma_wait3A_63 = arith.constant 2 : i32
    %dma_wait3A_64 = arith.constant 0 : i32
    %dma_wait3A_65 = tpu.memref_slice %arg11[%dma_wait3A_63, %dma_wait3A_64] : memref<4x128xi32, #tpu.memory_space<vmem>> -> memref<1x128xi32, #tpu.memory_space<vmem>>
    %dma_wait3A_66 = tpu.memref_squeeze %dma_wait3A_65 : memref<1x128xi32, #tpu.memory_space<vmem>> -> memref<128xi32, #tpu.memory_space<vmem>>
    %dma_wait3A_67 = tpu.memref_slice %arg6[%add3A_25] : memref<16384xi32, #tpu.memory_space<hbm>> -> memref<128xi32, #tpu.memory_space<hbm>>
    %dma_wait3A_68 = arith.constant 0 : i32
    %dma_wait3A_69 = tpu.memref_slice %arg11[%dma_wait3A_63, %dma_wait3A_68] : memref<4x128xi32, #tpu.memory_space<vmem>> -> memref<1x128xi32, #tpu.memory_space<vmem>>
    %dma_wait3A_70 = tpu.memref_squeeze %dma_wait3A_69 : memref<1x128xi32, #tpu.memory_space<vmem>> -> memref<128xi32, #tpu.memory_space<vmem>>
    %dma_wait3A_71 = tpu.memref_slice %arg6[%add3A_25] : memref<16384xi32, #tpu.memory_space<hbm>> -> memref<128xi32, #tpu.memory_space<hbm>>
    tpu.wait_dma2 semaphore(%arg18 : memref<!tpu.dma_semaphore, #tpu.memory_space<semaphore_mem>>) src(%dma_wait3A_71 : memref<128xi32, #tpu.memory_space<hbm>>) dst(%dma_wait3A_70 : memref<128xi32, #tpu.memory_space<vmem>>)
    %dma_wait3A_72 = arith.constant 3 : i32
    %dma_wait3A_73 = arith.constant 0 : i32
    %dma_wait3A_74 = tpu.memref_slice %arg11[%dma_wait3A_72, %dma_wait3A_73] : memref<4x128xi32, #tpu.memory_space<vmem>> -> memref<1x128xi32, #tpu.memory_space<vmem>>
    %dma_wait3A_75 = tpu.memref_squeeze %dma_wait3A_74 : memref<1x128xi32, #tpu.memory_space<vmem>> -> memref<128xi32, #tpu.memory_space<vmem>>
    %dma_wait3A_76 = tpu.memref_slice %arg6[%add3A_36] : memref<16384xi32, #tpu.memory_space<hbm>> -> memref<128xi32, #tpu.memory_space<hbm>>
    %dma_wait3A_77 = arith.constant 0 : i32
    %dma_wait3A_78 = tpu.memref_slice %arg11[%dma_wait3A_72, %dma_wait3A_77] : memref<4x128xi32, #tpu.memory_space<vmem>> -> memref<1x128xi32, #tpu.memory_space<vmem>>
    %dma_wait3A_79 = tpu.memref_squeeze %dma_wait3A_78 : memref<1x128xi32, #tpu.memory_space<vmem>> -> memref<128xi32, #tpu.memory_space<vmem>>
    %dma_wait3A_80 = tpu.memref_slice %arg6[%add3A_36] : memref<16384xi32, #tpu.memory_space<hbm>> -> memref<128xi32, #tpu.memory_space<hbm>>
    tpu.wait_dma2 semaphore(%arg18 : memref<!tpu.dma_semaphore, #tpu.memory_space<semaphore_mem>>) src(%dma_wait3A_80 : memref<128xi32, #tpu.memory_space<hbm>>) dst(%dma_wait3A_79 : memref<128xi32, #tpu.memory_space<vmem>>)
    %get3A = arith.constant 0 : i32
    %get3A_81 = arith.index_cast %get3A : i32 to index
    %get3A_82 = arith.constant 0 : index
    %get3A_83 = tpu.vector_load %arg11[%get3A_81, %get3A_82] {strides = array<i32>} : memref<4x128xi32, #tpu.memory_space<vmem>>, vector<1x16xi32>,
    %get3A_84 = vector.shape_cast %get3A_83 : vector<1x16xi32> to vector<16xi32>
    %add3A_85 = arith.constant 100000 : i32
    %add3A_86 = vector.broadcast %add3A_85 : i32 to vector<16xi32>
    %add3A_87 = arith.addi %get3A_84, %add3A_86 : vector<16xi32>
    %swap3A = arith.constant 0 : i32
    %swap3A_88 = arith.index_cast %swap3A : i32 to index
    %swap3A_89 = arith.constant 0 : index
    %swap3A_90 = tpu.vector_load %arg12[%swap3A_88, %swap3A_89] {strides = array<i32>} : memref<4x128xi32, #tpu.memory_space<vmem>>, vector<1x16xi32>,
    %swap3A_91 = vector.shape_cast %swap3A_90 : vector<1x16xi32> to vector<16xi32>
    %swap3A_92 = vector.shape_cast %add3A_87 : vector<16xi32> to vector<1x16xi32>
    tpu.vector_store %arg12[%swap3A_88, %swap3A_89], %swap3A_92 {strides = array<i32>} : memref<4x128xi32, #tpu.memory_space<vmem>>, vector<1x16xi32>,
    %add3A_93 = arith.constant 200000 : i32
    %add3A_94 = vector.broadcast %add3A_93 : i32 to vector<16xi32>
    %add3A_95 = arith.addi %get3A_84, %add3A_94 : vector<16xi32>
    %swap3A_96 = arith.constant 0 : i32
    %swap3A_97 = arith.index_cast %swap3A_96 : i32 to index
    %swap3A_98 = arith.constant 0 : index
    %swap3A_99 = tpu.vector_load %arg13[%swap3A_97, %swap3A_98] {strides = array<i32>} : memref<4x128xi32, #tpu.memory_space<vmem>>, vector<1x16xi32>,
    %swap3A_100 = vector.shape_cast %swap3A_99 : vector<1x16xi32> to vector<16xi32>
    %swap3A_101 = vector.shape_cast %add3A_95 : vector<16xi32> to vector<1x16xi32>
    tpu.vector_store %arg13[%swap3A_97, %swap3A_98], %swap3A_101 {strides = array<i32>} : memref<4x128xi32, #tpu.memory_space<vmem>>, vector<1x16xi32>,
    %get3A_102 = arith.constant 0 : i32
    %get3A_103 = arith.index_cast %get3A_102 : i32 to index
    %get3A_104 = arith.constant 16 : index
    %get3A_105 = tpu.vector_load %arg11[%get3A_103, %get3A_104] {strides = array<i32>} : memref<4x128xi32, #tpu.memory_space<vmem>>, vector<1x16xi32>,
    %get3A_106 = vector.shape_cast %get3A_105 : vector<1x16xi32> to vector<16xi32>
    %add3A_107 = arith.constant 100000 : i32
    %add3A_108 = vector.broadcast %add3A_107 : i32 to vector<16xi32>
    %add3A_109 = arith.addi %get3A_106, %add3A_108 : vector<16xi32>
    %swap3A_110 = arith.constant 0 : i32
    %swap3A_111 = arith.index_cast %swap3A_110 : i32 to index
    %swap3A_112 = arith.constant 16 : index
    %swap3A_113 = tpu.vector_load %arg12[%swap3A_111, %swap3A_112] {strides = array<i32>} : memref<4x128xi32, #tpu.memory_space<vmem>>, vector<1x16xi32>,
    %swap3A_114 = vector.shape_cast %swap3A_113 : vector<1x16xi32> to vector<16xi32>
    %swap3A_115 = vector.shape_cast %add3A_109 : vector<16xi32> to vector<1x16xi32>
    tpu.vector_store %arg12[%swap3A_111, %swap3A_112], %swap3A_115 {strides = array<i32>} : memref<4x128xi32, #tpu.memory_space<vmem>>, vector<1x16xi32>,
    %add3A_116 = arith.constant 200000 : i32
    %add3A_117 = vector.broadcast %add3A_116 : i32 to vector<16xi32>
    %add3A_118 = arith.addi %get3A_106, %add3A_117 : vector<16xi32>
    %swap3A_119 = arith.constant 0 : i32
    %swap3A_120 = arith.index_cast %swap3A_119 : i32 to index
    %swap3A_121 = arith.constant 16 : index
    %swap3A_122 = tpu.vector_load %arg13[%swap3A_120, %swap3A_121] {strides = array<i32>} : memref<4x128xi32, #tpu.memory_space<vmem>>, vector<1x16xi32>,
    %swap3A_123 = vector.shape_cast %swap3A_122 : vector<1x16xi32> to vector<16xi32>
    %swap3A_124 = vector.shape_cast %add3A_118 : vector<16xi32> to vector<1x16xi32>
    tpu.vector_store %arg13[%swap3A_120, %swap3A_121], %swap3A_124 {strides = array<i32>} : memref<4x128xi32, #tpu.memory_space<vmem>>, vector<1x16xi32>,
    %get3A_125 = arith.constant 0 : i32
    %get3A_126 = arith.index_cast %get3A_125 : i32 to index
    %get3A_127 = arith.constant 32 : index
    %get3A_128 = tpu.vector_load %arg11[%get3A_126, %get3A_127] {strides = array<i32>} : memref<4x128xi32, #tpu.memory_space<vmem>>, vector<1x16xi32>,
    %get3A_129 = vector.shape_cast %get3A_128 : vector<1x16xi32> to vector<16xi32>
    %add3A_130 = arith.constant 100000 : i32
    %add3A_131 = vector.broadcast %add3A_130 : i32 to vector<16xi32>
    %add3A_132 = arith.addi %get3A_129, %add3A_131 : vector<16xi32>
    %swap3A_133 = arith.constant 0 : i32
    %swap3A_134 = arith.index_cast %swap3A_133 : i32 to index
    %swap3A_135 = arith.constant 32 : index
    %swap3A_136 = tpu.vector_load %arg12[%swap3A_134, %swap3A_135] {strides = array<i32>} : memref<4x128xi32, #tpu.memory_space<vmem>>, vector<1x16xi32>,
    %swap3A_137 = vector.shape_cast %swap3A_136 : vector<1x16xi32> to vector<16xi32>
    %swap3A_138 = vector.shape_cast %add3A_132 : vector<16xi32> to vector<1x16xi32>
    tpu.vector_store %arg12[%swap3A_134, %swap3A_135], %swap3A_138 {strides = array<i32>} : memref<4x128xi32, #tpu.memory_space<vmem>>, vector<1x16xi32>,
    %add3A_139 = arith.constant 200000 : i32
    %add3A_140 = vector.broadcast %add3A_139 : i32 to vector<16xi32>
    %add3A_141 = arith.addi %get3A_129, %add3A_140 : vector<16xi32>
    %swap3A_142 = arith.constant 0 : i32
    %swap3A_143 = arith.index_cast %swap3A_142 : i32 to index
    %swap3A_144 = arith.constant 32 : index
    %swap3A_145 = tpu.vector_load %arg13[%swap3A_143, %swap3A_144] {strides = array<i32>} : memref<4x128xi32, #tpu.memory_space<vmem>>, vector<1x16xi32>,
    %swap3A_146 = vector.shape_cast %swap3A_145 : vector<1x16xi32> to vector<16xi32>
    %swap3A_147 = vector.shape_cast %add3A_141 : vector<16xi32> to vector<1x16xi32>
    tpu.vector_store %arg13[%swap3A_143, %swap3A_144], %swap3A_147 {strides = array<i32>} : memref<4x128xi32, #tpu.memory_space<vmem>>, vector<1x16xi32>,
    %get3A_148 = arith.constant 0 : i32
    %get3A_149 = arith.index_cast %get3A_148 : i32 to index
    %get3A_150 = arith.constant 48 : index
    %get3A_151 = tpu.vector_load %arg11[%get3A_149, %get3A_150] {strides = array<i32>} : memref<4x128xi32, #tpu.memory_space<vmem>>, vector<1x16xi32>,
    %get3A_152 = vector.shape_cast %get3A_151 : vector<1x16xi32> to vector<16xi32>
    %add3A_153 = arith.constant 100000 : i32
    %add3A_154 = vector.broadcast %add3A_153 : i32 to vector<16xi32>
    %add3A_155 = arith.addi %get3A_152, %add3A_154 : vector<16xi32>
    %swap3A_156 = arith.constant 0 : i32
    %swap3A_157 = arith.index_cast %swap3A_156 : i32 to index
    %swap3A_158 = arith.constant 48 : index
    %swap3A_159 = tpu.vector_load %arg12[%swap3A_157, %swap3A_158] {strides = array<i32>} : memref<4x128xi32, #tpu.memory_space<vmem>>, vector<1x16xi32>,
    %swap3A_160 = vector.shape_cast %swap3A_159 : vector<1x16xi32> to vector<16xi32>
    %swap3A_161 = vector.shape_cast %add3A_155 : vector<16xi32> to vector<1x16xi32>
    tpu.vector_store %arg12[%swap3A_157, %swap3A_158], %swap3A_161 {strides = array<i32>} : memref<4x128xi32, #tpu.memory_space<vmem>>, vector<1x16xi32>,
    %add3A_162 = arith.constant 200000 : i32
    %add3A_163 = vector.broadcast %add3A_162 : i32 to vector<16xi32>
    %add3A_164 = arith.addi %get3A_152, %add3A_163 : vector<16xi32>
    %swap3A_165 = arith.constant 0 : i32
    %swap3A_166 = arith.index_cast %swap3A_165 : i32 to index
    %swap3A_167 = arith.constant 48 : index
    %swap3A_168 = tpu.vector_load %arg13[%swap3A_166, %swap3A_167] {strides = array<i32>} : memref<4x128xi32, #tpu.memory_space<vmem>>, vector<1x16xi32>,
    %swap3A_169 = vector.shape_cast %swap3A_168 : vector<1x16xi32> to vector<16xi32>
    %swap3A_170 = vector.shape_cast %add3A_164 : vector<16xi32> to vector<1x16xi32>
    tpu.vector_store %arg13[%swap3A_166, %swap3A_167], %swap3A_170 {strides = array<i32>} : memref<4x128xi32, #tpu.memory_space<vmem>>, vector<1x16xi32>,
    %get3A_171 = arith.constant 0 : i32
    %get3A_172 = arith.index_cast %get3A_171 : i32 to index
    %get3A_173 = arith.constant 64 : index
    %get3A_174 = tpu.vector_load %arg11[%get3A_172, %get3A_173] {strides = array<i32>} : memref<4x128xi32, #tpu.memory_space<vmem>>, vector<1x16xi32>,
    %get3A_175 = vector.shape_cast %get3A_174 : vector<1x16xi32> to vector<16xi32>
    %add3A_176 = arith.constant 100000 : i32
    %add3A_177 = vector.broadcast %add3A_176 : i32 to vector<16xi32>
    %add3A_178 = arith.addi %get3A_175, %add3A_177 : vector<16xi32>
    %swap3A_179 = arith.constant 0 : i32
    %swap3A_180 = arith.index_cast %swap3A_179 : i32 to index
    %swap3A_181 = arith.constant 64 : index
    %swap3A_182 = tpu.vector_load %arg12[%swap3A_180, %swap3A_181] {strides = array<i32>} : memref<4x128xi32, #tpu.memory_space<vmem>>, vector<1x16xi32>,
    %swap3A_183 = vector.shape_cast %swap3A_182 : vector<1x16xi32> to vector<16xi32>
    %swap3A_184 = vector.shape_cast %add3A_178 : vector<16xi32> to vector<1x16xi32>
    tpu.vector_store %arg12[%swap3A_180, %swap3A_181], %swap3A_184 {strides = array<i32>} : memref<4x128xi32, #tpu.memory_space<vmem>>, vector<1x16xi32>,
    %add3A_185 = arith.constant 200000 : i32
    %add3A_186 = vector.broadcast %add3A_185 : i32 to vector<16xi32>
    %add3A_187 = arith.addi %get3A_175, %add3A_186 : vector<16xi32>
    %swap3A_188 = arith.constant 0 : i32
    %swap3A_189 = arith.index_cast %swap3A_188 : i32 to index
    %swap3A_190 = arith.constant 64 : index
    %swap3A_191 = tpu.vector_load %arg13[%swap3A_189, %swap3A_190] {strides = array<i32>} : memref<4x128xi32, #tpu.memory_space<vmem>>, vector<1x16xi32>,
    %swap3A_192 = vector.shape_cast %swap3A_191 : vector<1x16xi32> to vector<16xi32>
    %swap3A_193 = vector.shape_cast %add3A_187 : vector<16xi32> to vector<1x16xi32>
    tpu.vector_store %arg13[%swap3A_189, %swap3A_190], %swap3A_193 {strides = array<i32>} : memref<4x128xi32, #tpu.memory_space<vmem>>, vector<1x16xi32>,
    %get3A_194 = arith.constant 0 : i32
    %get3A_195 = arith.index_cast %get3A_194 : i32 to index
    %get3A_196 = arith.constant 80 : index
    %get3A_197 = tpu.vector_load %arg11[%get3A_195, %get3A_196] {strides = array<i32>} : memref<4x128xi32, #tpu.memory_space<vmem>>, vector<1x16xi32>,
    %get3A_198 = vector.shape_cast %get3A_197 : vector<1x16xi32> to vector<16xi32>
    %add3A_199 = arith.constant 100000 : i32
    %add3A_200 = vector.broadcast %add3A_199 : i32 to vector<16xi32>
    %add3A_201 = arith.addi %get3A_198, %add3A_200 : vector<16xi32>
    %swap3A_202 = arith.constant 0 : i32
    %swap3A_203 = arith.index_cast %swap3A_202 : i32 to index
    %swap3A_204 = arith.constant 80 : index
    %swap3A_205 = tpu.vector_load %arg12[%swap3A_203, %swap3A_204] {strides = array<i32>} : memref<4x128xi32, #tpu.memory_space<vmem>>, vector<1x16xi32>,
    %swap3A_206 = vector.shape_cast %swap3A_205 : vector<1x16xi32> to vector<16xi32>
    %swap3A_207 = vector.shape_cast %add3A_201 : vector<16xi32> to vector<1x16xi32>
    tpu.vector_store %arg12[%swap3A_203, %swap3A_204], %swap3A_207 {strides = array<i32>} : memref<4x128xi32, #tpu.memory_space<vmem>>, vector<1x16xi32>,
    %add3A_208 = arith.constant 200000 : i32
    %add3A_209 = vector.broadcast %add3A_208 : i32 to vector<16xi32>
    %add3A_210 = arith.addi %get3A_198, %add3A_209 : vector<16xi32>
    %swap3A_211 = arith.constant 0 : i32
    %swap3A_212 = arith.index_cast %swap3A_211 : i32 to index
    %swap3A_213 = arith.constant 80 : index
    %swap3A_214 = tpu.vector_load %arg13[%swap3A_212, %swap3A_213] {strides = array<i32>} : memref<4x128xi32, #tpu.memory_space<vmem>>, vector<1x16xi32>,
    %swap3A_215 = vector.shape_cast %swap3A_214 : vector<1x16xi32> to vector<16xi32>
    %swap3A_216 = vector.shape_cast %add3A_210 : vector<16xi32> to vector<1x16xi32>
    tpu.vector_store %arg13[%swap3A_212, %swap3A_213], %swap3A_216 {strides = array<i32>} : memref<4x128xi32, #tpu.memory_space<vmem>>, vector<1x16xi32>,
    %get3A_217 = arith.constant 0 : i32
    %get3A_218 = arith.index_cast %get3A_217 : i32 to index
    %get3A_219 = arith.constant 96 : index
    %get3A_220 = tpu.vector_load %arg11[%get3A_218, %get3A_219] {strides = array<i32>} : memref<4x128xi32, #tpu.memory_space<vmem>>, vector<1x16xi32>,
    %get3A_221 = vector.shape_cast %get3A_220 : vector<1x16xi32> to vector<16xi32>
    %add3A_222 = arith.constant 100000 : i32
    %add3A_223 = vector.broadcast %add3A_222 : i32 to vector<16xi32>
    %add3A_224 = arith.addi %get3A_221, %add3A_223 : vector<16xi32>
    %swap3A_225 = arith.constant 0 : i32
    %swap3A_226 = arith.index_cast %swap3A_225 : i32 to index
    %swap3A_227 = arith.constant 96 : index
    %swap3A_228 = tpu.vector_load %arg12[%swap3A_226, %swap3A_227] {strides = array<i32>} : memref<4x128xi32, #tpu.memory_space<vmem>>, vector<1x16xi32>,
    %swap3A_229 = vector.shape_cast %swap3A_228 : vector<1x16xi32> to vector<16xi32>
    %swap3A_230 = vector.shape_cast %add3A_224 : vector<16xi32> to vector<1x16xi32>
    tpu.vector_store %arg12[%swap3A_226, %swap3A_227], %swap3A_230 {strides = array<i32>} : memref<4x128xi32, #tpu.memory_space<vmem>>, vector<1x16xi32>,
    %add3A_231 = arith.constant 200000 : i32
    %add3A_232 = vector.broadcast %add3A_231 : i32 to vector<16xi32>
    %add3A_233 = arith.addi %get3A_221, %add3A_232 : vector<16xi32>
    %swap3A_234 = arith.constant 0 : i32
    %swap3A_235 = arith.index_cast %swap3A_234 : i32 to index
    %swap3A_236 = arith.constant 96 : index
    %swap3A_237 = tpu.vector_load %arg13[%swap3A_235, %swap3A_236] {strides = array<i32>} : memref<4x128xi32, #tpu.memory_space<vmem>>, vector<1x16xi32>,
    %swap3A_238 = vector.shape_cast %swap3A_237 : vector<1x16xi32> to vector<16xi32>
    %swap3A_239 = vector.shape_cast %add3A_233 : vector<16xi32> to vector<1x16xi32>
    tpu.vector_store %arg13[%swap3A_235, %swap3A_236], %swap3A_239 {strides = array<i32>} : memref<4x128xi32, #tpu.memory_space<vmem>>, vector<1x16xi32>,
    %get3A_240 = arith.constant 0 : i32
    %get3A_241 = arith.index_cast %get3A_240 : i32 to index
    %get3A_242 = arith.constant 112 : index
    %get3A_243 = tpu.vector_load %arg11[%get3A_241, %get3A_242] {strides = array<i32>} : memref<4x128xi32, #tpu.memory_space<vmem>>, vector<1x16xi32>,
    %get3A_244 = vector.shape_cast %get3A_243 : vector<1x16xi32> to vector<16xi32>
    %add3A_245 = arith.constant 100000 : i32
    %add3A_246 = vector.broadcast %add3A_245 : i32 to vector<16xi32>
    %add3A_247 = arith.addi %get3A_244, %add3A_246 : vector<16xi32>
    %swap3A_248 = arith.constant 0 : i32
    %swap3A_249 = arith.index_cast %swap3A_248 : i32 to index
    %swap3A_250 = arith.constant 112 : index
    %swap3A_251 = tpu.vector_load %arg12[%swap3A_249, %swap3A_250] {strides = array<i32>} : memref<4x128xi32, #tpu.memory_space<vmem>>, vector<1x16xi32>,
    %swap3A_252 = vector.shape_cast %swap3A_251 : vector<1x16xi32> to vector<16xi32>
    %swap3A_253 = vector.shape_cast %add3A_247 : vector<16xi32> to vector<1x16xi32>
    tpu.vector_store %arg12[%swap3A_249, %swap3A_250], %swap3A_253 {strides = array<i32>} : memref<4x128xi32, #tpu.memory_space<vmem>>, vector<1x16xi32>,
    %add3A_254 = arith.constant 200000 : i32
    %add3A_255 = vector.broadcast %add3A_254 : i32 to vector<16xi32>
    %add3A_256 = arith.addi %get3A_244, %add3A_255 : vector<16xi32>
    %swap3A_257 = arith.constant 0 : i32
    %swap3A_258 = arith.index_cast %swap3A_257 : i32 to index
    %swap3A_259 = arith.constant 112 : index
    %swap3A_260 = tpu.vector_load %arg13[%swap3A_258, %swap3A_259] {strides = array<i32>} : memref<4x128xi32, #tpu.memory_space<vmem>>, vector<1x16xi32>,
    %swap3A_261 = vector.shape_cast %swap3A_260 : vector<1x16xi32> to vector<16xi32>
    %swap3A_262 = vector.shape_cast %add3A_256 : vector<16xi32> to vector<1x16xi32>
    tpu.vector_store %arg13[%swap3A_258, %swap3A_259], %swap3A_262 {strides = array<i32>} : memref<4x128xi32, #tpu.memory_space<vmem>>, vector<1x16xi32>,
    %get3A_263 = arith.constant 1 : i32
    %get3A_264 = arith.index_cast %get3A_263 : i32 to index
    %get3A_265 = arith.constant 0 : index
    %get3A_266 = tpu.vector_load %arg11[%get3A_264, %get3A_265] {strides = array<i32>} : memref<4x128xi32, #tpu.memory_space<vmem>>, vector<1x16xi32>,
    %get3A_267 = vector.shape_cast %get3A_266 : vector<1x16xi32> to vector<16xi32>
    %add3A_268 = arith.constant 100000 : i32
    %add3A_269 = vector.broadcast %add3A_268 : i32 to vector<16xi32>
    %add3A_270 = arith.addi %get3A_267, %add3A_269 : vector<16xi32>
    %swap3A_271 = arith.constant 1 : i32
    %swap3A_272 = arith.index_cast %swap3A_271 : i32 to index
    %swap3A_273 = arith.constant 0 : index
    %swap3A_274 = tpu.vector_load %arg12[%swap3A_272, %swap3A_273] {strides = array<i32>} : memref<4x128xi32, #tpu.memory_space<vmem>>, vector<1x16xi32>,
    %swap3A_275 = vector.shape_cast %swap3A_274 : vector<1x16xi32> to vector<16xi32>
    %swap3A_276 = vector.shape_cast %add3A_270 : vector<16xi32> to vector<1x16xi32>
    tpu.vector_store %arg12[%swap3A_272, %swap3A_273], %swap3A_276 {strides = array<i32>} : memref<4x128xi32, #tpu.memory_space<vmem>>, vector<1x16xi32>,
    %add3A_277 = arith.constant 200000 : i32
    %add3A_278 = vector.broadcast %add3A_277 : i32 to vector<16xi32>
    %add3A_279 = arith.addi %get3A_267, %add3A_278 : vector<16xi32>
    %swap3A_280 = arith.constant 1 : i32
    %swap3A_281 = arith.index_cast %swap3A_280 : i32 to index
    %swap3A_282 = arith.constant 0 : index
    %swap3A_283 = tpu.vector_load %arg13[%swap3A_281, %swap3A_282] {strides = array<i32>} : memref<4x128xi32, #tpu.memory_space<vmem>>, vector<1x16xi32>,
    %swap3A_284 = vector.shape_cast %swap3A_283 : vector<1x16xi32> to vector<16xi32>
    %swap3A_285 = vector.shape_cast %add3A_279 : vector<16xi32> to vector<1x16xi32>
    tpu.vector_store %arg13[%swap3A_281, %swap3A_282], %swap3A_285 {strides = array<i32>} : memref<4x128xi32, #tpu.memory_space<vmem>>, vector<1x16xi32>,
    %get3A_286 = arith.constant 1 : i32
    %get3A_287 = arith.index_cast %get3A_286 : i32 to index
    %get3A_288 = arith.constant 16 : index
    %get3A_289 = tpu.vector_load %arg11[%get3A_287, %get3A_288] {strides = array<i32>} : memref<4x128xi32, #tpu.memory_space<vmem>>, vector<1x16xi32>,
    %get3A_290 = vector.shape_cast %get3A_289 : vector<1x16xi32> to vector<16xi32>
    %add3A_291 = arith.constant 100000 : i32
    %add3A_292 = vector.broadcast %add3A_291 : i32 to vector<16xi32>
    %add3A_293 = arith.addi %get3A_290, %add3A_292 : vector<16xi32>
    %swap3A_294 = arith.constant 1 : i32
    %swap3A_295 = arith.index_cast %swap3A_294 : i32 to index
    %swap3A_296 = arith.constant 16 : index
    %swap3A_297 = tpu.vector_load %arg12[%swap3A_295, %swap3A_296] {strides = array<i32>} : memref<4x128xi32, #tpu.memory_space<vmem>>, vector<1x16xi32>,
    %swap3A_298 = vector.shape_cast %swap3A_297 : vector<1x16xi32> to vector<16xi32>
    %swap3A_299 = vector.shape_cast %add3A_293 : vector<16xi32> to vector<1x16xi32>
    tpu.vector_store %arg12[%swap3A_295, %swap3A_296], %swap3A_299 {strides = array<i32>} : memref<4x128xi32, #tpu.memory_space<vmem>>, vector<1x16xi32>,
    %add3A_300 = arith.constant 200000 : i32
    %add3A_301 = vector.broadcast %add3A_300 : i32 to vector<16xi32>
    %add3A_302 = arith.addi %get3A_290, %add3A_301 : vector<16xi32>
    %swap3A_303 = arith.constant 1 : i32
    %swap3A_304 = arith.index_cast %swap3A_303 : i32 to index
    %swap3A_305 = arith.constant 16 : index
    %swap3A_306 = tpu.vector_load %arg13[%swap3A_304, %swap3A_305] {strides = array<i32>} : memref<4x128xi32, #tpu.memory_space<vmem>>, vector<1x16xi32>,
    %swap3A_307 = vector.shape_cast %swap3A_306 : vector<1x16xi32> to vector<16xi32>
    %swap3A_308 = vector.shape_cast %add3A_302 : vector<16xi32> to vector<1x16xi32>
    tpu.vector_store %arg13[%swap3A_304, %swap3A_305], %swap3A_308 {strides = array<i32>} : memref<4x128xi32, #tpu.memory_space<vmem>>, vector<1x16xi32>,
    %get3A_309 = arith.constant 1 : i32
    %get3A_310 = arith.index_cast %get3A_309 : i32 to index
    %get3A_311 = arith.constant 32 : index
    %get3A_312 = tpu.vector_load %arg11[%get3A_310, %get3A_311] {strides = array<i32>} : memref<4x128xi32, #tpu.memory_space<vmem>>, vector<1x16xi32>,
    %get3A_313 = vector.shape_cast %get3A_312 : vector<1x16xi32> to vector<16xi32>
    %add3A_314 = arith.constant 100000 : i32
    %add3A_315 = vector.broadcast %add3A_314 : i32 to vector<16xi32>
    %add3A_316 = arith.addi %get3A_313, %add3A_315 : vector<16xi32>
    %swap3A_317 = arith.constant 1 : i32
    %swap3A_318 = arith.index_cast %swap3A_317 : i32 to index
    %swap3A_319 = arith.constant 32 : index
    %swap3A_320 = tpu.vector_load %arg12[%swap3A_318, %swap3A_319] {strides = array<i32>} : memref<4x128xi32, #tpu.memory_space<vmem>>, vector<1x16xi32>,
    %swap3A_321 = vector.shape_cast %swap3A_320 : vector<1x16xi32> to vector<16xi32>
    %swap3A_322 = vector.shape_cast %add3A_316 : vector<16xi32> to vector<1x16xi32>
    tpu.vector_store %arg12[%swap3A_318, %swap3A_319], %swap3A_322 {strides = array<i32>} : memref<4x128xi32, #tpu.memory_space<vmem>>, vector<1x16xi32>,
    %add3A_323 = arith.constant 200000 : i32
    %add3A_324 = vector.broadcast %add3A_323 : i32 to vector<16xi32>
    %add3A_325 = arith.addi %get3A_313, %add3A_324 : vector<16xi32>
    %swap3A_326 = arith.constant 1 : i32
    %swap3A_327 = arith.index_cast %swap3A_326 : i32 to index
    %swap3A_328 = arith.constant 32 : index
    %swap3A_329 = tpu.vector_load %arg13[%swap3A_327, %swap3A_328] {strides = array<i32>} : memref<4x128xi32, #tpu.memory_space<vmem>>, vector<1x16xi32>,
    %swap3A_330 = vector.shape_cast %swap3A_329 : vector<1x16xi32> to vector<16xi32>
    %swap3A_331 = vector.shape_cast %add3A_325 : vector<16xi32> to vector<1x16xi32>
    tpu.vector_store %arg13[%swap3A_327, %swap3A_328], %swap3A_331 {strides = array<i32>} : memref<4x128xi32, #tpu.memory_space<vmem>>, vector<1x16xi32>,
    %get3A_332 = arith.constant 1 : i32
    %get3A_333 = arith.index_cast %get3A_332 : i32 to index
    %get3A_334 = arith.constant 48 : index
    %get3A_335 = tpu.vector_load %arg11[%get3A_333, %get3A_334] {strides = array<i32>} : memref<4x128xi32, #tpu.memory_space<vmem>>, vector<1x16xi32>,
    %get3A_336 = vector.shape_cast %get3A_335 : vector<1x16xi32> to vector<16xi32>
    %add3A_337 = arith.constant 100000 : i32
    %add3A_338 = vector.broadcast %add3A_337 : i32 to vector<16xi32>
    %add3A_339 = arith.addi %get3A_336, %add3A_338 : vector<16xi32>
    %swap3A_340 = arith.constant 1 : i32
    %swap3A_341 = arith.index_cast %swap3A_340 : i32 to index
    %swap3A_342 = arith.constant 48 : index
    %swap3A_343 = tpu.vector_load %arg12[%swap3A_341, %swap3A_342] {strides = array<i32>} : memref<4x128xi32, #tpu.memory_space<vmem>>, vector<1x16xi32>,
    %swap3A_344 = vector.shape_cast %swap3A_343 : vector<1x16xi32> to vector<16xi32>
    %swap3A_345 = vector.shape_cast %add3A_339 : vector<16xi32> to vector<1x16xi32>
    tpu.vector_store %arg12[%swap3A_341, %swap3A_342], %swap3A_345 {strides = array<i32>} : memref<4x128xi32, #tpu.memory_space<vmem>>, vector<1x16xi32>,
    %add3A_346 = arith.constant 200000 : i32
    %add3A_347 = vector.broadcast %add3A_346 : i32 to vector<16xi32>
    %add3A_348 = arith.addi %get3A_336, %add3A_347 : vector<16xi32>
    %swap3A_349 = arith.constant 1 : i32
    %swap3A_350 = arith.index_cast %swap3A_349 : i32 to index
    %swap3A_351 = arith.constant 48 : index
    %swap3A_352 = tpu.vector_load %arg13[%swap3A_350, %swap3A_351] {strides = array<i32>} : memref<4x128xi32, #tpu.memory_space<vmem>>, vector<1x16xi32>,
    %swap3A_353 = vector.shape_cast %swap3A_352 : vector<1x16xi32> to vector<16xi32>
    %swap3A_354 = vector.shape_cast %add3A_348 : vector<16xi32> to vector<1x16xi32>
    tpu.vector_store %arg13[%swap3A_350, %swap3A_351], %swap3A_354 {strides = array<i32>} : memref<4x128xi32, #tpu.memory_space<vmem>>, vector<1x16xi32>,
    %get3A_355 = arith.constant 1 : i32
    %get3A_356 = arith.index_cast %get3A_355 : i32 to index
    %get3A_357 = arith.constant 64 : index
    %get3A_358 = tpu.vector_load %arg11[%get3A_356, %get3A_357] {strides = array<i32>} : memref<4x128xi32, #tpu.memory_space<vmem>>, vector<1x16xi32>,
    %get3A_359 = vector.shape_cast %get3A_358 : vector<1x16xi32> to vector<16xi32>
    %add3A_360 = arith.constant 100000 : i32
    %add3A_361 = vector.broadcast %add3A_360 : i32 to vector<16xi32>
    %add3A_362 = arith.addi %get3A_359, %add3A_361 : vector<16xi32>
    %swap3A_363 = arith.constant 1 : i32
    %swap3A_364 = arith.index_cast %swap3A_363 : i32 to index
    %swap3A_365 = arith.constant 64 : index
    %swap3A_366 = tpu.vector_load %arg12[%swap3A_364, %swap3A_365] {strides = array<i32>} : memref<4x128xi32, #tpu.memory_space<vmem>>, vector<1x16xi32>,
    %swap3A_367 = vector.shape_cast %swap3A_366 : vector<1x16xi32> to vector<16xi32>
    %swap3A_368 = vector.shape_cast %add3A_362 : vector<16xi32> to vector<1x16xi32>
    tpu.vector_store %arg12[%swap3A_364, %swap3A_365], %swap3A_368 {strides = array<i32>} : memref<4x128xi32, #tpu.memory_space<vmem>>, vector<1x16xi32>,
    %add3A_369 = arith.constant 200000 : i32
    %add3A_370 = vector.broadcast %add3A_369 : i32 to vector<16xi32>
    %add3A_371 = arith.addi %get3A_359, %add3A_370 : vector<16xi32>
    %swap3A_372 = arith.constant 1 : i32
    %swap3A_373 = arith.index_cast %swap3A_372 : i32 to index
    %swap3A_374 = arith.constant 64 : index
    %swap3A_375 = tpu.vector_load %arg13[%swap3A_373, %swap3A_374] {strides = array<i32>} : memref<4x128xi32, #tpu.memory_space<vmem>>, vector<1x16xi32>,
    %swap3A_376 = vector.shape_cast %swap3A_375 : vector<1x16xi32> to vector<16xi32>
    %swap3A_377 = vector.shape_cast %add3A_371 : vector<16xi32> to vector<1x16xi32>
    tpu.vector_store %arg13[%swap3A_373, %swap3A_374], %swap3A_377 {strides = array<i32>} : memref<4x128xi32, #tpu.memory_space<vmem>>, vector<1x16xi32>,
    %get3A_378 = arith.constant 1 : i32
    %get3A_379 = arith.index_cast %get3A_378 : i32 to index
    %get3A_380 = arith.constant 80 : index
    %get3A_381 = tpu.vector_load %arg11[%get3A_379, %get3A_380] {strides = array<i32>} : memref<4x128xi32, #tpu.memory_space<vmem>>, vector<1x16xi32>,
    %get3A_382 = vector.shape_cast %get3A_381 : vector<1x16xi32> to vector<16xi32>
    %add3A_383 = arith.constant 100000 : i32
    %add3A_384 = vector.broadcast %add3A_383 : i32 to vector<16xi32>
    %add3A_385 = arith.addi %get3A_382, %add3A_384 : vector<16xi32>
    %swap3A_386 = arith.constant 1 : i32
    %swap3A_387 = arith.index_cast %swap3A_386 : i32 to index
    %swap3A_388 = arith.constant 80 : index
    %swap3A_389 = tpu.vector_load %arg12[%swap3A_387, %swap3A_388] {strides = array<i32>} : memref<4x128xi32, #tpu.memory_space<vmem>>, vector<1x16xi32>,
    %swap3A_390 = vector.shape_cast %swap3A_389 : vector<1x16xi32> to vector<16xi32>
    %swap3A_391 = vector.shape_cast %add3A_385 : vector<16xi32> to vector<1x16xi32>
    tpu.vector_store %arg12[%swap3A_387, %swap3A_388], %swap3A_391 {strides = array<i32>} : memref<4x128xi32, #tpu.memory_space<vmem>>, vector<1x16xi32>,
    %add3A_392 = arith.constant 200000 : i32
    %add3A_393 = vector.broadcast %add3A_392 : i32 to vector<16xi32>
    %add3A_394 = arith.addi %get3A_382, %add3A_393 : vector<16xi32>
    %swap3A_395 = arith.constant 1 : i32
    %swap3A_396 = arith.index_cast %swap3A_395 : i32 to index
    %swap3A_397 = arith.constant 80 : index
    %swap3A_398 = tpu.vector_load %arg13[%swap3A_396, %swap3A_397] {strides = array<i32>} : memref<4x128xi32, #tpu.memory_space<vmem>>, vector<1x16xi32>,
    %swap3A_399 = vector.shape_cast %swap3A_398 : vector<1x16xi32> to vector<16xi32>
    %swap3A_400 = vector.shape_cast %add3A_394 : vector<16xi32> to vector<1x16xi32>
    tpu.vector_store %arg13[%swap3A_396, %swap3A_397], %swap3A_400 {strides = array<i32>} : memref<4x128xi32, #tpu.memory_space<vmem>>, vector<1x16xi32>,
    %get3A_401 = arith.constant 1 : i32
    %get3A_402 = arith.index_cast %get3A_401 : i32 to index
    %get3A_403 = arith.constant 96 : index
    %get3A_404 = tpu.vector_load %arg11[%get3A_402, %get3A_403] {strides = array<i32>} : memref<4x128xi32, #tpu.memory_space<vmem>>, vector<1x16xi32>,
    %get3A_405 = vector.shape_cast %get3A_404 : vector<1x16xi32> to vector<16xi32>
    %add3A_406 = arith.constant 100000 : i32
    %add3A_407 = vector.broadcast %add3A_406 : i32 to vector<16xi32>
    %add3A_408 = arith.addi %get3A_405, %add3A_407 : vector<16xi32>
    %swap3A_409 = arith.constant 1 : i32
    %swap3A_410 = arith.index_cast %swap3A_409 : i32 to index
    %swap3A_411 = arith.constant 96 : index
    %swap3A_412 = tpu.vector_load %arg12[%swap3A_410, %swap3A_411] {strides = array<i32>} : memref<4x128xi32, #tpu.memory_space<vmem>>, vector<1x16xi32>,
    %swap3A_413 = vector.shape_cast %swap3A_412 : vector<1x16xi32> to vector<16xi32>
    %swap3A_414 = vector.shape_cast %add3A_408 : vector<16xi32> to vector<1x16xi32>
    tpu.vector_store %arg12[%swap3A_410, %swap3A_411], %swap3A_414 {strides = array<i32>} : memref<4x128xi32, #tpu.memory_space<vmem>>, vector<1x16xi32>,
    %add3A_415 = arith.constant 200000 : i32
    %add3A_416 = vector.broadcast %add3A_415 : i32 to vector<16xi32>
    %add3A_417 = arith.addi %get3A_405, %add3A_416 : vector<16xi32>
    %swap3A_418 = arith.constant 1 : i32
    %swap3A_419 = arith.index_cast %swap3A_418 : i32 to index
    %swap3A_420 = arith.constant 96 : index
    %swap3A_421 = tpu.vector_load %arg13[%swap3A_419, %swap3A_420] {strides = array<i32>} : memref<4x128xi32, #tpu.memory_space<vmem>>, vector<1x16xi32>,
    %swap3A_422 = vector.shape_cast %swap3A_421 : vector<1x16xi32> to vector<16xi32>
    %swap3A_423 = vector.shape_cast %add3A_417 : vector<16xi32> to vector<1x16xi32>
    tpu.vector_store %arg13[%swap3A_419, %swap3A_420], %swap3A_423 {strides = array<i32>} : memref<4x128xi32, #tpu.memory_space<vmem>>, vector<1x16xi32>,
    %get3A_424 = arith.constant 1 : i32
    %get3A_425 = arith.index_cast %get3A_424 : i32 to index
    %get3A_426 = arith.constant 112 : index
    %get3A_427 = tpu.vector_load %arg11[%get3A_425, %get3A_426] {strides = array<i32>} : memref<4x128xi32, #tpu.memory_space<vmem>>, vector<1x16xi32>,
    %get3A_428 = vector.shape_cast %get3A_427 : vector<1x16xi32> to vector<16xi32>
    %add3A_429 = arith.constant 100000 : i32
    %add3A_430 = vector.broadcast %add3A_429 : i32 to vector<16xi32>
    %add3A_431 = arith.addi %get3A_428, %add3A_430 : vector<16xi32>
    %swap3A_432 = arith.constant 1 : i32
    %swap3A_433 = arith.index_cast %swap3A_432 : i32 to index
    %swap3A_434 = arith.constant 112 : index
    %swap3A_435 = tpu.vector_load %arg12[%swap3A_433, %swap3A_434] {strides = array<i32>} : memref<4x128xi32, #tpu.memory_space<vmem>>, vector<1x16xi32>,
    %swap3A_436 = vector.shape_cast %swap3A_435 : vector<1x16xi32> to vector<16xi32>
    %swap3A_437 = vector.shape_cast %add3A_431 : vector<16xi32> to vector<1x16xi32>
    tpu.vector_store %arg12[%swap3A_433, %swap3A_434], %swap3A_437 {strides = array<i32>} : memref<4x128xi32, #tpu.memory_space<vmem>>, vector<1x16xi32>,
    %add3A_438 = arith.constant 200000 : i32
    %add3A_439 = vector.broadcast %add3A_438 : i32 to vector<16xi32>
    %add3A_440 = arith.addi %get3A_428, %add3A_439 : vector<16xi32>
    %swap3A_441 = arith.constant 1 : i32
    %swap3A_442 = arith.index_cast %swap3A_441 : i32 to index
    %swap3A_443 = arith.constant 112 : index
    %swap3A_444 = tpu.vector_load %arg13[%swap3A_442, %swap3A_443] {strides = array<i32>} : memref<4x128xi32, #tpu.memory_space<vmem>>, vector<1x16xi32>,
    %swap3A_445 = vector.shape_cast %swap3A_444 : vector<1x16xi32> to vector<16xi32>
    %swap3A_446 = vector.shape_cast %add3A_440 : vector<16xi32> to vector<1x16xi32>
    tpu.vector_store %arg13[%swap3A_442, %swap3A_443], %swap3A_446 {strides = array<i32>} : memref<4x128xi32, #tpu.memory_space<vmem>>, vector<1x16xi32>,
    %get3A_447 = arith.constant 2 : i32
    %get3A_448 = arith.index_cast %get3A_447 : i32 to index
    %get3A_449 = arith.constant 0 : index
    %get3A_450 = tpu.vector_load %arg11[%get3A_448, %get3A_449] {strides = array<i32>} : memref<4x128xi32, #tpu.memory_space<vmem>>, vector<1x16xi32>,
    %get3A_451 = vector.shape_cast %get3A_450 : vector<1x16xi32> to vector<16xi32>
    %add3A_452 = arith.constant 100000 : i32
    %add3A_453 = vector.broadcast %add3A_452 : i32 to vector<16xi32>
    %add3A_454 = arith.addi %get3A_451, %add3A_453 : vector<16xi32>
    %swap3A_455 = arith.constant 2 : i32
    %swap3A_456 = arith.index_cast %swap3A_455 : i32 to index
    %swap3A_457 = arith.constant 0 : index
    %swap3A_458 = tpu.vector_load %arg12[%swap3A_456, %swap3A_457] {strides = array<i32>} : memref<4x128xi32, #tpu.memory_space<vmem>>, vector<1x16xi32>,
    %swap3A_459 = vector.shape_cast %swap3A_458 : vector<1x16xi32> to vector<16xi32>
    %swap3A_460 = vector.shape_cast %add3A_454 : vector<16xi32> to vector<1x16xi32>
    tpu.vector_store %arg12[%swap3A_456, %swap3A_457], %swap3A_460 {strides = array<i32>} : memref<4x128xi32, #tpu.memory_space<vmem>>, vector<1x16xi32>,
    %add3A_461 = arith.constant 200000 : i32
    %add3A_462 = vector.broadcast %add3A_461 : i32 to vector<16xi32>
    %add3A_463 = arith.addi %get3A_451, %add3A_462 : vector<16xi32>
    %swap3A_464 = arith.constant 2 : i32
    %swap3A_465 = arith.index_cast %swap3A_464 : i32 to index
    %swap3A_466 = arith.constant 0 : index
    %swap3A_467 = tpu.vector_load %arg13[%swap3A_465, %swap3A_466] {strides = array<i32>} : memref<4x128xi32, #tpu.memory_space<vmem>>, vector<1x16xi32>,
    %swap3A_468 = vector.shape_cast %swap3A_467 : vector<1x16xi32> to vector<16xi32>
    %swap3A_469 = vector.shape_cast %add3A_463 : vector<16xi32> to vector<1x16xi32>
    tpu.vector_store %arg13[%swap3A_465, %swap3A_466], %swap3A_469 {strides = array<i32>} : memref<4x128xi32, #tpu.memory_space<vmem>>, vector<1x16xi32>,
    %get3A_470 = arith.constant 2 : i32
    %get3A_471 = arith.index_cast %get3A_470 : i32 to index
    %get3A_472 = arith.constant 16 : index
    %get3A_473 = tpu.vector_load %arg11[%get3A_471, %get3A_472] {strides = array<i32>} : memref<4x128xi32, #tpu.memory_space<vmem>>, vector<1x16xi32>,
    %get3A_474 = vector.shape_cast %get3A_473 : vector<1x16xi32> to vector<16xi32>
    %add3A_475 = arith.constant 100000 : i32
    %add3A_476 = vector.broadcast %add3A_475 : i32 to vector<16xi32>
    %add3A_477 = arith.addi %get3A_474, %add3A_476 : vector<16xi32>
    %swap3A_478 = arith.constant 2 : i32
    %swap3A_479 = arith.index_cast %swap3A_478 : i32 to index
    %swap3A_480 = arith.constant 16 : index
    %swap3A_481 = tpu.vector_load %arg12[%swap3A_479, %swap3A_480] {strides = array<i32>} : memref<4x128xi32, #tpu.memory_space<vmem>>, vector<1x16xi32>,
    %swap3A_482 = vector.shape_cast %swap3A_481 : vector<1x16xi32> to vector<16xi32>
    %swap3A_483 = vector.shape_cast %add3A_477 : vector<16xi32> to vector<1x16xi32>
    tpu.vector_store %arg12[%swap3A_479, %swap3A_480], %swap3A_483 {strides = array<i32>} : memref<4x128xi32, #tpu.memory_space<vmem>>, vector<1x16xi32>,
    %add3A_484 = arith.constant 200000 : i32
    %add3A_485 = vector.broadcast %add3A_484 : i32 to vector<16xi32>
    %add3A_486 = arith.addi %get3A_474, %add3A_485 : vector<16xi32>
    %swap3A_487 = arith.constant 2 : i32
    %swap3A_488 = arith.index_cast %swap3A_487 : i32 to index
    %swap3A_489 = arith.constant 16 : index
    %swap3A_490 = tpu.vector_load %arg13[%swap3A_488, %swap3A_489] {strides = array<i32>} : memref<4x128xi32, #tpu.memory_space<vmem>>, vector<1x16xi32>,
    %swap3A_491 = vector.shape_cast %swap3A_490 : vector<1x16xi32> to vector<16xi32>
    %swap3A_492 = vector.shape_cast %add3A_486 : vector<16xi32> to vector<1x16xi32>
    tpu.vector_store %arg13[%swap3A_488, %swap3A_489], %swap3A_492 {strides = array<i32>} : memref<4x128xi32, #tpu.memory_space<vmem>>, vector<1x16xi32>,
    %get3A_493 = arith.constant 2 : i32
    %get3A_494 = arith.index_cast %get3A_493 : i32 to index
    %get3A_495 = arith.constant 32 : index
    %get3A_496 = tpu.vector_load %arg11[%get3A_494, %get3A_495] {strides = array<i32>} : memref<4x128xi32, #tpu.memory_space<vmem>>, vector<1x16xi32>,
    %get3A_497 = vector.shape_cast %get3A_496 : vector<1x16xi32> to vector<16xi32>
    %add3A_498 = arith.constant 100000 : i32
    %add3A_499 = vector.broadcast %add3A_498 : i32 to vector<16xi32>
    %add3A_500 = arith.addi %get3A_497, %add3A_499 : vector<16xi32>
    %swap3A_501 = arith.constant 2 : i32
    %swap3A_502 = arith.index_cast %swap3A_501 : i32 to index
    %swap3A_503 = arith.constant 32 : index
    %swap3A_504 = tpu.vector_load %arg12[%swap3A_502, %swap3A_503] {strides = array<i32>} : memref<4x128xi32, #tpu.memory_space<vmem>>, vector<1x16xi32>,
    %swap3A_505 = vector.shape_cast %swap3A_504 : vector<1x16xi32> to vector<16xi32>
    %swap3A_506 = vector.shape_cast %add3A_500 : vector<16xi32> to vector<1x16xi32>
    tpu.vector_store %arg12[%swap3A_502, %swap3A_503], %swap3A_506 {strides = array<i32>} : memref<4x128xi32, #tpu.memory_space<vmem>>, vector<1x16xi32>,
    %add3A_507 = arith.constant 200000 : i32
    %add3A_508 = vector.broadcast %add3A_507 : i32 to vector<16xi32>
    %add3A_509 = arith.addi %get3A_497, %add3A_508 : vector<16xi32>
    %swap3A_510 = arith.constant 2 : i32
    %swap3A_511 = arith.index_cast %swap3A_510 : i32 to index
    %swap3A_512 = arith.constant 32 : index
    %swap3A_513 = tpu.vector_load %arg13[%swap3A_511, %swap3A_512] {strides = array<i32>} : memref<4x128xi32, #tpu.memory_space<vmem>>, vector<1x16xi32>,
    %swap3A_514 = vector.shape_cast %swap3A_513 : vector<1x16xi32> to vector<16xi32>
    %swap3A_515 = vector.shape_cast %add3A_509 : vector<16xi32> to vector<1x16xi32>
    tpu.vector_store %arg13[%swap3A_511, %swap3A_512], %swap3A_515 {strides = array<i32>} : memref<4x128xi32, #tpu.memory_space<vmem>>, vector<1x16xi32>,
    %get3A_516 = arith.constant 2 : i32
    %get3A_517 = arith.index_cast %get3A_516 : i32 to index
    %get3A_518 = arith.constant 48 : index
    %get3A_519 = tpu.vector_load %arg11[%get3A_517, %get3A_518] {strides = array<i32>} : memref<4x128xi32, #tpu.memory_space<vmem>>, vector<1x16xi32>,
    %get3A_520 = vector.shape_cast %get3A_519 : vector<1x16xi32> to vector<16xi32>
    %add3A_521 = arith.constant 100000 : i32
    %add3A_522 = vector.broadcast %add3A_521 : i32 to vector<16xi32>
    %add3A_523 = arith.addi %get3A_520, %add3A_522 : vector<16xi32>
    %swap3A_524 = arith.constant 2 : i32
    %swap3A_525 = arith.index_cast %swap3A_524 : i32 to index
    %swap3A_526 = arith.constant 48 : index
    %swap3A_527 = tpu.vector_load %arg12[%swap3A_525, %swap3A_526] {strides = array<i32>} : memref<4x128xi32, #tpu.memory_space<vmem>>, vector<1x16xi32>,
    %swap3A_528 = vector.shape_cast %swap3A_527 : vector<1x16xi32> to vector<16xi32>
    %swap3A_529 = vector.shape_cast %add3A_523 : vector<16xi32> to vector<1x16xi32>
    tpu.vector_store %arg12[%swap3A_525, %swap3A_526], %swap3A_529 {strides = array<i32>} : memref<4x128xi32, #tpu.memory_space<vmem>>, vector<1x16xi32>,
    %add3A_530 = arith.constant 200000 : i32
    %add3A_531 = vector.broadcast %add3A_530 : i32 to vector<16xi32>
    %add3A_532 = arith.addi %get3A_520, %add3A_531 : vector<16xi32>
    %swap3A_533 = arith.constant 2 : i32
    %swap3A_534 = arith.index_cast %swap3A_533 : i32 to index
    %swap3A_535 = arith.constant 48 : index
    %swap3A_536 = tpu.vector_load %arg13[%swap3A_534, %swap3A_535] {strides = array<i32>} : memref<4x128xi32, #tpu.memory_space<vmem>>, vector<1x16xi32>,
    %swap3A_537 = vector.shape_cast %swap3A_536 : vector<1x16xi32> to vector<16xi32>
    %swap3A_538 = vector.shape_cast %add3A_532 : vector<16xi32> to vector<1x16xi32>
    tpu.vector_store %arg13[%swap3A_534, %swap3A_535], %swap3A_538 {strides = array<i32>} : memref<4x128xi32, #tpu.memory_space<vmem>>, vector<1x16xi32>,
    %get3A_539 = arith.constant 2 : i32
    %get3A_540 = arith.index_cast %get3A_539 : i32 to index
    %get3A_541 = arith.constant 64 : index
    %get3A_542 = tpu.vector_load %arg11[%get3A_540, %get3A_541] {strides = array<i32>} : memref<4x128xi32, #tpu.memory_space<vmem>>, vector<1x16xi32>,
    %get3A_543 = vector.shape_cast %get3A_542 : vector<1x16xi32> to vector<16xi32>
    %add3A_544 = arith.constant 100000 : i32
    %add3A_545 = vector.broadcast %add3A_544 : i32 to vector<16xi32>
    %add3A_546 = arith.addi %get3A_543, %add3A_545 : vector<16xi32>
    %swap3A_547 = arith.constant 2 : i32
    %swap3A_548 = arith.index_cast %swap3A_547 : i32 to index
    %swap3A_549 = arith.constant 64 : index
    %swap3A_550 = tpu.vector_load %arg12[%swap3A_548, %swap3A_549] {strides = array<i32>} : memref<4x128xi32, #tpu.memory_space<vmem>>, vector<1x16xi32>,
    %swap3A_551 = vector.shape_cast %swap3A_550 : vector<1x16xi32> to vector<16xi32>
    %swap3A_552 = vector.shape_cast %add3A_546 : vector<16xi32> to vector<1x16xi32>
    tpu.vector_store %arg12[%swap3A_548, %swap3A_549], %swap3A_552 {strides = array<i32>} : memref<4x128xi32, #tpu.memory_space<vmem>>, vector<1x16xi32>,
    %add3A_553 = arith.constant 200000 : i32
    %add3A_554 = vector.broadcast %add3A_553 : i32 to vector<16xi32>
    %add3A_555 = arith.addi %get3A_543, %add3A_554 : vector<16xi32>
    %swap3A_556 = arith.constant 2 : i32
    %swap3A_557 = arith.index_cast %swap3A_556 : i32 to index
    %swap3A_558 = arith.constant 64 : index
    %swap3A_559 = tpu.vector_load %arg13[%swap3A_557, %swap3A_558] {strides = array<i32>} : memref<4x128xi32, #tpu.memory_space<vmem>>, vector<1x16xi32>,
    %swap3A_560 = vector.shape_cast %swap3A_559 : vector<1x16xi32> to vector<16xi32>
    %swap3A_561 = vector.shape_cast %add3A_555 : vector<16xi32> to vector<1x16xi32>
    tpu.vector_store %arg13[%swap3A_557, %swap3A_558], %swap3A_561 {strides = array<i32>} : memref<4x128xi32, #tpu.memory_space<vmem>>, vector<1x16xi32>,
    %get3A_562 = arith.constant 2 : i32
    %get3A_563 = arith.index_cast %get3A_562 : i32 to index
    %get3A_564 = arith.constant 80 : index
    %get3A_565 = tpu.vector_load %arg11[%get3A_563, %get3A_564] {strides = array<i32>} : memref<4x128xi32, #tpu.memory_space<vmem>>, vector<1x16xi32>,
    %get3A_566 = vector.shape_cast %get3A_565 : vector<1x16xi32> to vector<16xi32>
    %add3A_567 = arith.constant 100000 : i32
    %add3A_568 = vector.broadcast %add3A_567 : i32 to vector<16xi32>
    %add3A_569 = arith.addi %get3A_566, %add3A_568 : vector<16xi32>
    %swap3A_570 = arith.constant 2 : i32
    %swap3A_571 = arith.index_cast %swap3A_570 : i32 to index
    %swap3A_572 = arith.constant 80 : index
    %swap3A_573 = tpu.vector_load %arg12[%swap3A_571, %swap3A_572] {strides = array<i32>} : memref<4x128xi32, #tpu.memory_space<vmem>>, vector<1x16xi32>,
    %swap3A_574 = vector.shape_cast %swap3A_573 : vector<1x16xi32> to vector<16xi32>
    %swap3A_575 = vector.shape_cast %add3A_569 : vector<16xi32> to vector<1x16xi32>
    tpu.vector_store %arg12[%swap3A_571, %swap3A_572], %swap3A_575 {strides = array<i32>} : memref<4x128xi32, #tpu.memory_space<vmem>>, vector<1x16xi32>,
    %add3A_576 = arith.constant 200000 : i32
    %add3A_577 = vector.broadcast %add3A_576 : i32 to vector<16xi32>
    %add3A_578 = arith.addi %get3A_566, %add3A_577 : vector<16xi32>
    %swap3A_579 = arith.constant 2 : i32
    %swap3A_580 = arith.index_cast %swap3A_579 : i32 to index
    %swap3A_581 = arith.constant 80 : index
    %swap3A_582 = tpu.vector_load %arg13[%swap3A_580, %swap3A_581] {strides = array<i32>} : memref<4x128xi32, #tpu.memory_space<vmem>>, vector<1x16xi32>,
    %swap3A_583 = vector.shape_cast %swap3A_582 : vector<1x16xi32> to vector<16xi32>
    %swap3A_584 = vector.shape_cast %add3A_578 : vector<16xi32> to vector<1x16xi32>
    tpu.vector_store %arg13[%swap3A_580, %swap3A_581], %swap3A_584 {strides = array<i32>} : memref<4x128xi32, #tpu.memory_space<vmem>>, vector<1x16xi32>,
    %get3A_585 = arith.constant 2 : i32
    %get3A_586 = arith.index_cast %get3A_585 : i32 to index
    %get3A_587 = arith.constant 96 : index
    %get3A_588 = tpu.vector_load %arg11[%get3A_586, %get3A_587] {strides = array<i32>} : memref<4x128xi32, #tpu.memory_space<vmem>>, vector<1x16xi32>,
    %get3A_589 = vector.shape_cast %get3A_588 : vector<1x16xi32> to vector<16xi32>
    %add3A_590 = arith.constant 100000 : i32
    %add3A_591 = vector.broadcast %add3A_590 : i32 to vector<16xi32>
    %add3A_592 = arith.addi %get3A_589, %add3A_591 : vector<16xi32>
    %swap3A_593 = arith.constant 2 : i32
    %swap3A_594 = arith.index_cast %swap3A_593 : i32 to index
    %swap3A_595 = arith.constant 96 : index
    %swap3A_596 = tpu.vector_load %arg12[%swap3A_594, %swap3A_595] {strides = array<i32>} : memref<4x128xi32, #tpu.memory_space<vmem>>, vector<1x16xi32>,
    %swap3A_597 = vector.shape_cast %swap3A_596 : vector<1x16xi32> to vector<16xi32>
    %swap3A_598 = vector.shape_cast %add3A_592 : vector<16xi32> to vector<1x16xi32>
    tpu.vector_store %arg12[%swap3A_594, %swap3A_595], %swap3A_598 {strides = array<i32>} : memref<4x128xi32, #tpu.memory_space<vmem>>, vector<1x16xi32>,
    %add3A_599 = arith.constant 200000 : i32
    %add3A_600 = vector.broadcast %add3A_599 : i32 to vector<16xi32>
    %add3A_601 = arith.addi %get3A_589, %add3A_600 : vector<16xi32>
    %swap3A_602 = arith.constant 2 : i32
    %swap3A_603 = arith.index_cast %swap3A_602 : i32 to index
    %swap3A_604 = arith.constant 96 : index
    %swap3A_605 = tpu.vector_load %arg13[%swap3A_603, %swap3A_604] {strides = array<i32>} : memref<4x128xi32, #tpu.memory_space<vmem>>, vector<1x16xi32>,
    %swap3A_606 = vector.shape_cast %swap3A_605 : vector<1x16xi32> to vector<16xi32>
    %swap3A_607 = vector.shape_cast %add3A_601 : vector<16xi32> to vector<1x16xi32>
    tpu.vector_store %arg13[%swap3A_603, %swap3A_604], %swap3A_607 {strides = array<i32>} : memref<4x128xi32, #tpu.memory_space<vmem>>, vector<1x16xi32>,
    %get3A_608 = arith.constant 2 : i32
    %get3A_609 = arith.index_cast %get3A_608 : i32 to index
    %get3A_610 = arith.constant 112 : index
    %get3A_611 = tpu.vector_load %arg11[%get3A_609, %get3A_610] {strides = array<i32>} : memref<4x128xi32, #tpu.memory_space<vmem>>, vector<1x16xi32>,
    %get3A_612 = vector.shape_cast %get3A_611 : vector<1x16xi32> to vector<16xi32>
    %add3A_613 = arith.constant 100000 : i32
    %add3A_614 = vector.broadcast %add3A_613 : i32 to vector<16xi32>
    %add3A_615 = arith.addi %get3A_612, %add3A_614 : vector<16xi32>
    %swap3A_616 = arith.constant 2 : i32
    %swap3A_617 = arith.index_cast %swap3A_616 : i32 to index
    %swap3A_618 = arith.constant 112 : index
    %swap3A_619 = tpu.vector_load %arg12[%swap3A_617, %swap3A_618] {strides = array<i32>} : memref<4x128xi32, #tpu.memory_space<vmem>>, vector<1x16xi32>,
    %swap3A_620 = vector.shape_cast %swap3A_619 : vector<1x16xi32> to vector<16xi32>
    %swap3A_621 = vector.shape_cast %add3A_615 : vector<16xi32> to vector<1x16xi32>
    tpu.vector_store %arg12[%swap3A_617, %swap3A_618], %swap3A_621 {strides = array<i32>} : memref<4x128xi32, #tpu.memory_space<vmem>>, vector<1x16xi32>,
    %add3A_622 = arith.constant 200000 : i32
    %add3A_623 = vector.broadcast %add3A_622 : i32 to vector<16xi32>
    %add3A_624 = arith.addi %get3A_612, %add3A_623 : vector<16xi32>
    %swap3A_625 = arith.constant 2 : i32
    %swap3A_626 = arith.index_cast %swap3A_625 : i32 to index
    %swap3A_627 = arith.constant 112 : index
    %swap3A_628 = tpu.vector_load %arg13[%swap3A_626, %swap3A_627] {strides = array<i32>} : memref<4x128xi32, #tpu.memory_space<vmem>>, vector<1x16xi32>,
    %swap3A_629 = vector.shape_cast %swap3A_628 : vector<1x16xi32> to vector<16xi32>
    %swap3A_630 = vector.shape_cast %add3A_624 : vector<16xi32> to vector<1x16xi32>
    tpu.vector_store %arg13[%swap3A_626, %swap3A_627], %swap3A_630 {strides = array<i32>} : memref<4x128xi32, #tpu.memory_space<vmem>>, vector<1x16xi32>,
    %get3A_631 = arith.constant 3 : i32
    %get3A_632 = arith.index_cast %get3A_631 : i32 to index
    %get3A_633 = arith.constant 0 : index
    %get3A_634 = tpu.vector_load %arg11[%get3A_632, %get3A_633] {strides = array<i32>} : memref<4x128xi32, #tpu.memory_space<vmem>>, vector<1x16xi32>,
    %get3A_635 = vector.shape_cast %get3A_634 : vector<1x16xi32> to vector<16xi32>
    %add3A_636 = arith.constant 100000 : i32
    %add3A_637 = vector.broadcast %add3A_636 : i32 to vector<16xi32>
    %add3A_638 = arith.addi %get3A_635, %add3A_637 : vector<16xi32>
    %swap3A_639 = arith.constant 3 : i32
    %swap3A_640 = arith.index_cast %swap3A_639 : i32 to index
    %swap3A_641 = arith.constant 0 : index
    %swap3A_642 = tpu.vector_load %arg12[%swap3A_640, %swap3A_641] {strides = array<i32>} : memref<4x128xi32, #tpu.memory_space<vmem>>, vector<1x16xi32>,
    %swap3A_643 = vector.shape_cast %swap3A_642 : vector<1x16xi32> to vector<16xi32>
    %swap3A_644 = vector.shape_cast %add3A_638 : vector<16xi32> to vector<1x16xi32>
    tpu.vector_store %arg12[%swap3A_640, %swap3A_641], %swap3A_644 {strides = array<i32>} : memref<4x128xi32, #tpu.memory_space<vmem>>, vector<1x16xi32>,
    %add3A_645 = arith.constant 200000 : i32
    %add3A_646 = vector.broadcast %add3A_645 : i32 to vector<16xi32>
    %add3A_647 = arith.addi %get3A_635, %add3A_646 : vector<16xi32>
    %swap3A_648 = arith.constant 3 : i32
    %swap3A_649 = arith.index_cast %swap3A_648 : i32 to index
    %swap3A_650 = arith.constant 0 : index
    %swap3A_651 = tpu.vector_load %arg13[%swap3A_649, %swap3A_650] {strides = array<i32>} : memref<4x128xi32, #tpu.memory_space<vmem>>, vector<1x16xi32>,
    %swap3A_652 = vector.shape_cast %swap3A_651 : vector<1x16xi32> to vector<16xi32>
    %swap3A_653 = vector.shape_cast %add3A_647 : vector<16xi32> to vector<1x16xi32>
    tpu.vector_store %arg13[%swap3A_649, %swap3A_650], %swap3A_653 {strides = array<i32>} : memref<4x128xi32, #tpu.memory_space<vmem>>, vector<1x16xi32>,
    %get3A_654 = arith.constant 3 : i32
    %get3A_655 = arith.index_cast %get3A_654 : i32 to index
    %get3A_656 = arith.constant 16 : index
    %get3A_657 = tpu.vector_load %arg11[%get3A_655, %get3A_656] {strides = array<i32>} : memref<4x128xi32, #tpu.memory_space<vmem>>, vector<1x16xi32>,
    %get3A_658 = vector.shape_cast %get3A_657 : vector<1x16xi32> to vector<16xi32>
    %add3A_659 = arith.constant 100000 : i32
    %add3A_660 = vector.broadcast %add3A_659 : i32 to vector<16xi32>
    %add3A_661 = arith.addi %get3A_658, %add3A_660 : vector<16xi32>
    %swap3A_662 = arith.constant 3 : i32
    %swap3A_663 = arith.index_cast %swap3A_662 : i32 to index
    %swap3A_664 = arith.constant 16 : index
    %swap3A_665 = tpu.vector_load %arg12[%swap3A_663, %swap3A_664] {strides = array<i32>} : memref<4x128xi32, #tpu.memory_space<vmem>>, vector<1x16xi32>,
    %swap3A_666 = vector.shape_cast %swap3A_665 : vector<1x16xi32> to vector<16xi32>
    %swap3A_667 = vector.shape_cast %add3A_661 : vector<16xi32> to vector<1x16xi32>
    tpu.vector_store %arg12[%swap3A_663, %swap3A_664], %swap3A_667 {strides = array<i32>} : memref<4x128xi32, #tpu.memory_space<vmem>>, vector<1x16xi32>,
    %add3A_668 = arith.constant 200000 : i32
    %add3A_669 = vector.broadcast %add3A_668 : i32 to vector<16xi32>
    %add3A_670 = arith.addi %get3A_658, %add3A_669 : vector<16xi32>
    %swap3A_671 = arith.constant 3 : i32
    %swap3A_672 = arith.index_cast %swap3A_671 : i32 to index
    %swap3A_673 = arith.constant 16 : index
    %swap3A_674 = tpu.vector_load %arg13[%swap3A_672, %swap3A_673] {strides = array<i32>} : memref<4x128xi32, #tpu.memory_space<vmem>>, vector<1x16xi32>,
    %swap3A_675 = vector.shape_cast %swap3A_674 : vector<1x16xi32> to vector<16xi32>
    %swap3A_676 = vector.shape_cast %add3A_670 : vector<16xi32> to vector<1x16xi32>
    tpu.vector_store %arg13[%swap3A_672, %swap3A_673], %swap3A_676 {strides = array<i32>} : memref<4x128xi32, #tpu.memory_space<vmem>>, vector<1x16xi32>,
    %get3A_677 = arith.constant 3 : i32
    %get3A_678 = arith.index_cast %get3A_677 : i32 to index
    %get3A_679 = arith.constant 32 : index
    %get3A_680 = tpu.vector_load %arg11[%get3A_678, %get3A_679] {strides = array<i32>} : memref<4x128xi32, #tpu.memory_space<vmem>>, vector<1x16xi32>,
    %get3A_681 = vector.shape_cast %get3A_680 : vector<1x16xi32> to vector<16xi32>
    %add3A_682 = arith.constant 100000 : i32
    %add3A_683 = vector.broadcast %add3A_682 : i32 to vector<16xi32>
    %add3A_684 = arith.addi %get3A_681, %add3A_683 : vector<16xi32>
    %swap3A_685 = arith.constant 3 : i32
    %swap3A_686 = arith.index_cast %swap3A_685 : i32 to index
    %swap3A_687 = arith.constant 32 : index
    %swap3A_688 = tpu.vector_load %arg12[%swap3A_686, %swap3A_687] {strides = array<i32>} : memref<4x128xi32, #tpu.memory_space<vmem>>, vector<1x16xi32>,
    %swap3A_689 = vector.shape_cast %swap3A_688 : vector<1x16xi32> to vector<16xi32>
    %swap3A_690 = vector.shape_cast %add3A_684 : vector<16xi32> to vector<1x16xi32>
    tpu.vector_store %arg12[%swap3A_686, %swap3A_687], %swap3A_690 {strides = array<i32>} : memref<4x128xi32, #tpu.memory_space<vmem>>, vector<1x16xi32>,
    %add3A_691 = arith.constant 200000 : i32
    %add3A_692 = vector.broadcast %add3A_691 : i32 to vector<16xi32>
    %add3A_693 = arith.addi %get3A_681, %add3A_692 : vector<16xi32>
    %swap3A_694 = arith.constant 3 : i32
    %swap3A_695 = arith.index_cast %swap3A_694 : i32 to index
    %swap3A_696 = arith.constant 32 : index
    %swap3A_697 = tpu.vector_load %arg13[%swap3A_695, %swap3A_696] {strides = array<i32>} : memref<4x128xi32, #tpu.memory_space<vmem>>, vector<1x16xi32>,
    %swap3A_698 = vector.shape_cast %swap3A_697 : vector<1x16xi32> to vector<16xi32>
    %swap3A_699 = vector.shape_cast %add3A_693 : vector<16xi32> to vector<1x16xi32>
    tpu.vector_store %arg13[%swap3A_695, %swap3A_696], %swap3A_699 {strides = array<i32>} : memref<4x128xi32, #tpu.memory_space<vmem>>, vector<1x16xi32>,
    %get3A_700 = arith.constant 3 : i32
    %get3A_701 = arith.index_cast %get3A_700 : i32 to index
    %get3A_702 = arith.constant 48 : index
    %get3A_703 = tpu.vector_load %arg11[%get3A_701, %get3A_702] {strides = array<i32>} : memref<4x128xi32, #tpu.memory_space<vmem>>, vector<1x16xi32>,
    %get3A_704 = vector.shape_cast %get3A_703 : vector<1x16xi32> to vector<16xi32>
    %add3A_705 = arith.constant 100000 : i32
    %add3A_706 = vector.broadcast %add3A_705 : i32 to vector<16xi32>
    %add3A_707 = arith.addi %get3A_704, %add3A_706 : vector<16xi32>
    %swap3A_708 = arith.constant 3 : i32
    %swap3A_709 = arith.index_cast %swap3A_708 : i32 to index
    %swap3A_710 = arith.constant 48 : index
    %swap3A_711 = tpu.vector_load %arg12[%swap3A_709, %swap3A_710] {strides = array<i32>} : memref<4x128xi32, #tpu.memory_space<vmem>>, vector<1x16xi32>,
    %swap3A_712 = vector.shape_cast %swap3A_711 : vector<1x16xi32> to vector<16xi32>
    %swap3A_713 = vector.shape_cast %add3A_707 : vector<16xi32> to vector<1x16xi32>
    tpu.vector_store %arg12[%swap3A_709, %swap3A_710], %swap3A_713 {strides = array<i32>} : memref<4x128xi32, #tpu.memory_space<vmem>>, vector<1x16xi32>,
    %add3A_714 = arith.constant 200000 : i32
    %add3A_715 = vector.broadcast %add3A_714 : i32 to vector<16xi32>
    %add3A_716 = arith.addi %get3A_704, %add3A_715 : vector<16xi32>
    %swap3A_717 = arith.constant 3 : i32
    %swap3A_718 = arith.index_cast %swap3A_717 : i32 to index
    %swap3A_719 = arith.constant 48 : index
    %swap3A_720 = tpu.vector_load %arg13[%swap3A_718, %swap3A_719] {strides = array<i32>} : memref<4x128xi32, #tpu.memory_space<vmem>>, vector<1x16xi32>,
    %swap3A_721 = vector.shape_cast %swap3A_720 : vector<1x16xi32> to vector<16xi32>
    %swap3A_722 = vector.shape_cast %add3A_716 : vector<16xi32> to vector<1x16xi32>
    tpu.vector_store %arg13[%swap3A_718, %swap3A_719], %swap3A_722 {strides = array<i32>} : memref<4x128xi32, #tpu.memory_space<vmem>>, vector<1x16xi32>,
    %get3A_723 = arith.constant 3 : i32
    %get3A_724 = arith.index_cast %get3A_723 : i32 to index
    %get3A_725 = arith.constant 64 : index
    %get3A_726 = tpu.vector_load %arg11[%get3A_724, %get3A_725] {strides = array<i32>} : memref<4x128xi32, #tpu.memory_space<vmem>>, vector<1x16xi32>,
    %get3A_727 = vector.shape_cast %get3A_726 : vector<1x16xi32> to vector<16xi32>
    %add3A_728 = arith.constant 100000 : i32
    %add3A_729 = vector.broadcast %add3A_728 : i32 to vector<16xi32>
    %add3A_730 = arith.addi %get3A_727, %add3A_729 : vector<16xi32>
    %swap3A_731 = arith.constant 3 : i32
    %swap3A_732 = arith.index_cast %swap3A_731 : i32 to index
    %swap3A_733 = arith.constant 64 : index
    %swap3A_734 = tpu.vector_load %arg12[%swap3A_732, %swap3A_733] {strides = array<i32>} : memref<4x128xi32, #tpu.memory_space<vmem>>, vector<1x16xi32>,
    %swap3A_735 = vector.shape_cast %swap3A_734 : vector<1x16xi32> to vector<16xi32>
    %swap3A_736 = vector.shape_cast %add3A_730 : vector<16xi32> to vector<1x16xi32>
    tpu.vector_store %arg12[%swap3A_732, %swap3A_733], %swap3A_736 {strides = array<i32>} : memref<4x128xi32, #tpu.memory_space<vmem>>, vector<1x16xi32>,
    %add3A_737 = arith.constant 200000 : i32
    %add3A_738 = vector.broadcast %add3A_737 : i32 to vector<16xi32>
    %add3A_739 = arith.addi %get3A_727, %add3A_738 : vector<16xi32>
    %swap3A_740 = arith.constant 3 : i32
    %swap3A_741 = arith.index_cast %swap3A_740 : i32 to index
    %swap3A_742 = arith.constant 64 : index
    %swap3A_743 = tpu.vector_load %arg13[%swap3A_741, %swap3A_742] {strides = array<i32>} : memref<4x128xi32, #tpu.memory_space<vmem>>, vector<1x16xi32>,
    %swap3A_744 = vector.shape_cast %swap3A_743 : vector<1x16xi32> to vector<16xi32>
    %swap3A_745 = vector.shape_cast %add3A_739 : vector<16xi32> to vector<1x16xi32>
    tpu.vector_store %arg13[%swap3A_741, %swap3A_742], %swap3A_745 {strides = array<i32>} : memref<4x128xi32, #tpu.memory_space<vmem>>, vector<1x16xi32>,
    %get3A_746 = arith.constant 3 : i32
    %get3A_747 = arith.index_cast %get3A_746 : i32 to index
    %get3A_748 = arith.constant 80 : index
    %get3A_749 = tpu.vector_load %arg11[%get3A_747, %get3A_748] {strides = array<i32>} : memref<4x128xi32, #tpu.memory_space<vmem>>, vector<1x16xi32>,
    %get3A_750 = vector.shape_cast %get3A_749 : vector<1x16xi32> to vector<16xi32>
    %add3A_751 = arith.constant 100000 : i32
    %add3A_752 = vector.broadcast %add3A_751 : i32 to vector<16xi32>
    %add3A_753 = arith.addi %get3A_750, %add3A_752 : vector<16xi32>
    %swap3A_754 = arith.constant 3 : i32
    %swap3A_755 = arith.index_cast %swap3A_754 : i32 to index
    %swap3A_756 = arith.constant 80 : index
    %swap3A_757 = tpu.vector_load %arg12[%swap3A_755, %swap3A_756] {strides = array<i32>} : memref<4x128xi32, #tpu.memory_space<vmem>>, vector<1x16xi32>,
    %swap3A_758 = vector.shape_cast %swap3A_757 : vector<1x16xi32> to vector<16xi32>
    %swap3A_759 = vector.shape_cast %add3A_753 : vector<16xi32> to vector<1x16xi32>
    tpu.vector_store %arg12[%swap3A_755, %swap3A_756], %swap3A_759 {strides = array<i32>} : memref<4x128xi32, #tpu.memory_space<vmem>>, vector<1x16xi32>,
    %add3A_760 = arith.constant 200000 : i32
    %add3A_761 = vector.broadcast %add3A_760 : i32 to vector<16xi32>
    %add3A_762 = arith.addi %get3A_750, %add3A_761 : vector<16xi32>
    %swap3A_763 = arith.constant 3 : i32
    %swap3A_764 = arith.index_cast %swap3A_763 : i32 to index
    %swap3A_765 = arith.constant 80 : index
    %swap3A_766 = tpu.vector_load %arg13[%swap3A_764, %swap3A_765] {strides = array<i32>} : memref<4x128xi32, #tpu.memory_space<vmem>>, vector<1x16xi32>,
    %swap3A_767 = vector.shape_cast %swap3A_766 : vector<1x16xi32> to vector<16xi32>
    %swap3A_768 = vector.shape_cast %add3A_762 : vector<16xi32> to vector<1x16xi32>
    tpu.vector_store %arg13[%swap3A_764, %swap3A_765], %swap3A_768 {strides = array<i32>} : memref<4x128xi32, #tpu.memory_space<vmem>>, vector<1x16xi32>,
    %get3A_769 = arith.constant 3 : i32
    %get3A_770 = arith.index_cast %get3A_769 : i32 to index
    %get3A_771 = arith.constant 96 : index
    %get3A_772 = tpu.vector_load %arg11[%get3A_770, %get3A_771] {strides = array<i32>} : memref<4x128xi32, #tpu.memory_space<vmem>>, vector<1x16xi32>,
    %get3A_773 = vector.shape_cast %get3A_772 : vector<1x16xi32> to vector<16xi32>
    %add3A_774 = arith.constant 100000 : i32
    %add3A_775 = vector.broadcast %add3A_774 : i32 to vector<16xi32>
    %add3A_776 = arith.addi %get3A_773, %add3A_775 : vector<16xi32>
    %swap3A_777 = arith.constant 3 : i32
    %swap3A_778 = arith.index_cast %swap3A_777 : i32 to index
    %swap3A_779 = arith.constant 96 : index
    %swap3A_780 = tpu.vector_load %arg12[%swap3A_778, %swap3A_779] {strides = array<i32>} : memref<4x128xi32, #tpu.memory_space<vmem>>, vector<1x16xi32>,
    %swap3A_781 = vector.shape_cast %swap3A_780 : vector<1x16xi32> to vector<16xi32>
    %swap3A_782 = vector.shape_cast %add3A_776 : vector<16xi32> to vector<1x16xi32>
    tpu.vector_store %arg12[%swap3A_778, %swap3A_779], %swap3A_782 {strides = array<i32>} : memref<4x128xi32, #tpu.memory_space<vmem>>, vector<1x16xi32>,
    %add3A_783 = arith.constant 200000 : i32
    %add3A_784 = vector.broadcast %add3A_783 : i32 to vector<16xi32>
    %add3A_785 = arith.addi %get3A_773, %add3A_784 : vector<16xi32>
    %swap3A_786 = arith.constant 3 : i32
    %swap3A_787 = arith.index_cast %swap3A_786 : i32 to index
    %swap3A_788 = arith.constant 96 : index
    %swap3A_789 = tpu.vector_load %arg13[%swap3A_787, %swap3A_788] {strides = array<i32>} : memref<4x128xi32, #tpu.memory_space<vmem>>, vector<1x16xi32>,
    %swap3A_790 = vector.shape_cast %swap3A_789 : vector<1x16xi32> to vector<16xi32>
    %swap3A_791 = vector.shape_cast %add3A_785 : vector<16xi32> to vector<1x16xi32>
    tpu.vector_store %arg13[%swap3A_787, %swap3A_788], %swap3A_791 {strides = array<i32>} : memref<4x128xi32, #tpu.memory_space<vmem>>, vector<1x16xi32>,
    %get3A_792 = arith.constant 3 : i32
    %get3A_793 = arith.index_cast %get3A_792 : i32 to index
    %get3A_794 = arith.constant 112 : index
    %get3A_795 = tpu.vector_load %arg11[%get3A_793, %get3A_794] {strides = array<i32>} : memref<4x128xi32, #tpu.memory_space<vmem>>, vector<1x16xi32>,
    %get3A_796 = vector.shape_cast %get3A_795 : vector<1x16xi32> to vector<16xi32>
    %add3A_797 = arith.constant 100000 : i32
    %add3A_798 = vector.broadcast %add3A_797 : i32 to vector<16xi32>
    %add3A_799 = arith.addi %get3A_796, %add3A_798 : vector<16xi32>
    %swap3A_800 = arith.constant 3 : i32
    %swap3A_801 = arith.index_cast %swap3A_800 : i32 to index
    %swap3A_802 = arith.constant 112 : index
    %swap3A_803 = tpu.vector_load %arg12[%swap3A_801, %swap3A_802] {strides = array<i32>} : memref<4x128xi32, #tpu.memory_space<vmem>>, vector<1x16xi32>,
    %swap3A_804 = vector.shape_cast %swap3A_803 : vector<1x16xi32> to vector<16xi32>
    %swap3A_805 = vector.shape_cast %add3A_799 : vector<16xi32> to vector<1x16xi32>
    tpu.vector_store %arg12[%swap3A_801, %swap3A_802], %swap3A_805 {strides = array<i32>} : memref<4x128xi32, #tpu.memory_space<vmem>>, vector<1x16xi32>,
    %add3A_806 = arith.constant 200000 : i32
    %add3A_807 = vector.broadcast %add3A_806 : i32 to vector<16xi32>
    %add3A_808 = arith.addi %get3A_796, %add3A_807 : vector<16xi32>
    %swap3A_809 = arith.constant 3 : i32
    %swap3A_810 = arith.index_cast %swap3A_809 : i32 to index
    %swap3A_811 = arith.constant 112 : index
    %swap3A_812 = tpu.vector_load %arg13[%swap3A_810, %swap3A_811] {strides = array<i32>} : memref<4x128xi32, #tpu.memory_space<vmem>>, vector<1x16xi32>,
    %swap3A_813 = vector.shape_cast %swap3A_812 : vector<1x16xi32> to vector<16xi32>
    %swap3A_814 = vector.shape_cast %add3A_808 : vector<16xi32> to vector<1x16xi32>
    tpu.vector_store %arg13[%swap3A_810, %swap3A_811], %swap3A_814 {strides = array<i32>} : memref<4x128xi32, #tpu.memory_space<vmem>>, vector<1x16xi32>,
    %dma_start3A_815 = arith.constant 0 : i32
    %dma_start3A_816 = arith.constant 0 : i32
    %dma_start3A_817 = tpu.memref_slice %arg14[%dma_start3A_816] : memref<1536xf32, #tpu.memory_space<vmem>> -> memref<128xf32, #tpu.memory_space<vmem>>
    %dma_start3A_818 = arith.constant 0 : i32
    %dma_start3A_819 = tpu.memref_slice %arg11[%dma_start3A_815, %dma_start3A_818] : memref<4x128xi32, #tpu.memory_space<vmem>> -> memref<1x128xi32, #tpu.memory_space<vmem>>
    %dma_start3A_820 = tpu.memref_squeeze %dma_start3A_819 : memref<1x128xi32, #tpu.memory_space<vmem>> -> memref<128xi32, #tpu.memory_space<vmem>>
    %dma_start3A_821 = arith.constant 0 : i32
    %dma_start3A_822 = tpu.memref_slice %arg2[%dma_start3A_821] : memref<300000xf32, #tpu.memory_space<hbm>> -> memref<300000xf32, #tpu.memory_space<hbm>>
    tpu.enqueue_indirect_dma source(%dma_start3A_822 : memref<300000xf32, #tpu.memory_space<hbm>>) target(%dma_start3A_817 : memref<128xf32, #tpu.memory_space<vmem>>) offsets(%dma_start3A_820 : memref<128xi32, #tpu.memory_space<vmem>>) semaphore(%arg18 : memref<!tpu.dma_semaphore, #tpu.memory_space<semaphore_mem>>)
    %dma_start3A_823 = arith.constant 0 : i32
    %dma_start3A_824 = arith.constant 512 : i32
    %dma_start3A_825 = tpu.memref_slice %arg14[%dma_start3A_824] : memref<1536xf32, #tpu.memory_space<vmem>> -> memref<128xf32, #tpu.memory_space<vmem>>
    %dma_start3A_826 = arith.constant 0 : i32
    %dma_start3A_827 = tpu.memref_slice %arg12[%dma_start3A_823, %dma_start3A_826] : memref<4x128xi32, #tpu.memory_space<vmem>> -> memref<1x128xi32, #tpu.memory_space<vmem>>
    %dma_start3A_828 = tpu.memref_squeeze %dma_start3A_827 : memref<1x128xi32, #tpu.memory_space<vmem>> -> memref<128xi32, #tpu.memory_space<vmem>>
    %dma_start3A_829 = arith.constant 0 : i32
    %dma_start3A_830 = tpu.memref_slice %arg2[%dma_start3A_829] : memref<300000xf32, #tpu.memory_space<hbm>> -> memref<300000xf32, #tpu.memory_space<hbm>>
    tpu.enqueue_indirect_dma source(%dma_start3A_830 : memref<300000xf32, #tpu.memory_space<hbm>>) target(%dma_start3A_825 : memref<128xf32, #tpu.memory_space<vmem>>) offsets(%dma_start3A_828 : memref<128xi32, #tpu.memory_space<vmem>>) semaphore(%arg18 : memref<!tpu.dma_semaphore, #tpu.memory_space<semaphore_mem>>)
    %dma_start3A_831 = arith.constant 0 : i32
    %dma_start3A_832 = arith.constant 1024 : i32
    %dma_start3A_833 = tpu.memref_slice %arg14[%dma_start3A_832] : memref<1536xf32, #tpu.memory_space<vmem>> -> memref<128xf32, #tpu.memory_space<vmem>>
    %dma_start3A_834 = arith.constant 0 : i32
    %dma_start3A_835 = tpu.memref_slice %arg13[%dma_start3A_831, %dma_start3A_834] : memref<4x128xi32, #tpu.memory_space<vmem>> -> memref<1x128xi32, #tpu.memory_space<vmem>>
    %dma_start3A_836 = tpu.memref_squeeze %dma_start3A_835 : memref<1x128xi32, #tpu.memory_space<vmem>> -> memref<128xi32, #tpu.memory_space<vmem>>
    %dma_start3A_837 = arith.constant 0 : i32
    %dma_start3A_838 = tpu.memref_slice %arg2[%dma_start3A_837] : memref<300000xf32, #tpu.memory_space<hbm>> -> memref<300000xf32, #tpu.memory_space<hbm>>
    tpu.enqueue_indirect_dma source(%dma_start3A_838 : memref<300000xf32, #tpu.memory_space<hbm>>) target(%dma_start3A_833 : memref<128xf32, #tpu.memory_space<vmem>>) offsets(%dma_start3A_836 : memref<128xi32, #tpu.memory_space<vmem>>) semaphore(%arg18 : memref<!tpu.dma_semaphore, #tpu.memory_space<semaphore_mem>>)
    %dma_start3A_839 = arith.constant 0 : i32
    %dma_start3A_840 = arith.constant 0 : i32
    %dma_start3A_841 = tpu.memref_slice %arg15[%dma_start3A_840] : memref<1536xf32, #tpu.memory_space<vmem>> -> memref<128xf32, #tpu.memory_space<vmem>>
    %dma_start3A_842 = arith.constant 0 : i32
    %dma_start3A_843 = tpu.memref_slice %arg11[%dma_start3A_839, %dma_start3A_842] : memref<4x128xi32, #tpu.memory_space<vmem>> -> memref<1x128xi32, #tpu.memory_space<vmem>>
    %dma_start3A_844 = tpu.memref_squeeze %dma_start3A_843 : memref<1x128xi32, #tpu.memory_space<vmem>> -> memref<128xi32, #tpu.memory_space<vmem>>
    %dma_start3A_845 = arith.constant 0 : i32
    %dma_start3A_846 = tpu.memref_slice %arg3[%dma_start3A_845] : memref<300000xf32, #tpu.memory_space<hbm>> -> memref<300000xf32, #tpu.memory_space<hbm>>
    tpu.enqueue_indirect_dma source(%dma_start3A_846 : memref<300000xf32, #tpu.memory_space<hbm>>) target(%dma_start3A_841 : memref<128xf32, #tpu.memory_space<vmem>>) offsets(%dma_start3A_844 : memref<128xi32, #tpu.memory_space<vmem>>) semaphore(%arg18 : memref<!tpu.dma_semaphore, #tpu.memory_space<semaphore_mem>>)
    %dma_start3A_847 = arith.constant 0 : i32
    %dma_start3A_848 = arith.constant 512 : i32
    %dma_start3A_849 = tpu.memref_slice %arg15[%dma_start3A_848] : memref<1536xf32, #tpu.memory_space<vmem>> -> memref<128xf32, #tpu.memory_space<vmem>>
    %dma_start3A_850 = arith.constant 0 : i32
    %dma_start3A_851 = tpu.memref_slice %arg12[%dma_start3A_847, %dma_start3A_850] : memref<4x128xi32, #tpu.memory_space<vmem>> -> memref<1x128xi32, #tpu.memory_space<vmem>>
    %dma_start3A_852 = tpu.memref_squeeze %dma_start3A_851 : memref<1x128xi32, #tpu.memory_space<vmem>> -> memref<128xi32, #tpu.memory_space<vmem>>
    %dma_start3A_853 = arith.constant 0 : i32
    %dma_start3A_854 = tpu.memref_slice %arg3[%dma_start3A_853] : memref<300000xf32, #tpu.memory_space<hbm>> -> memref<300000xf32, #tpu.memory_space<hbm>>
    tpu.enqueue_indirect_dma source(%dma_start3A_854 : memref<300000xf32, #tpu.memory_space<hbm>>) target(%dma_start3A_849 : memref<128xf32, #tpu.memory_space<vmem>>) offsets(%dma_start3A_852 : memref<128xi32, #tpu.memory_space<vmem>>) semaphore(%arg18 : memref<!tpu.dma_semaphore, #tpu.memory_space<semaphore_mem>>)
    %dma_start3A_855 = arith.constant 0 : i32
    %dma_start3A_856 = arith.constant 1024 : i32
    %dma_start3A_857 = tpu.memref_slice %arg15[%dma_start3A_856] : memref<1536xf32, #tpu.memory_space<vmem>> -> memref<128xf32, #tpu.memory_space<vmem>>
    %dma_start3A_858 = arith.constant 0 : i32
    %dma_start3A_859 = tpu.memref_slice %arg13[%dma_start3A_855, %dma_start3A_858] : memref<4x128xi32, #tpu.memory_space<vmem>> -> memref<1x128xi32, #tpu.memory_space<vmem>>
    %dma_start3A_860 = tpu.memref_squeeze %dma_start3A_859 : memref<1x128xi32, #tpu.memory_space<vmem>> -> memref<128xi32, #tpu.memory_space<vmem>>
    %dma_start3A_861 = arith.constant 0 : i32
    %dma_start3A_862 = tpu.memref_slice %arg3[%dma_start3A_861] : memref<300000xf32, #tpu.memory_space<hbm>> -> memref<300000xf32, #tpu.memory_space<hbm>>
    tpu.enqueue_indirect_dma source(%dma_start3A_862 : memref<300000xf32, #tpu.memory_space<hbm>>) target(%dma_start3A_857 : memref<128xf32, #tpu.memory_space<vmem>>) offsets(%dma_start3A_860 : memref<128xi32, #tpu.memory_space<vmem>>) semaphore(%arg18 : memref<!tpu.dma_semaphore, #tpu.memory_space<semaphore_mem>>)
    %dma_start3A_863 = arith.constant 0 : i32
    %dma_start3A_864 = arith.constant 0 : i32
    %dma_start3A_865 = tpu.memref_slice %arg17[%dma_start3A_864] : memref<1024xf32, #tpu.memory_space<vmem>> -> memref<128xf32, #tpu.memory_space<vmem>>
    %dma_start3A_866 = arith.constant 0 : i32
    %dma_start3A_867 = tpu.memref_slice %arg11[%dma_start3A_863, %dma_start3A_866] : memref<4x128xi32, #tpu.memory_space<vmem>> -> memref<1x128xi32, #tpu.memory_space<vmem>>
    %dma_start3A_868 = tpu.memref_squeeze %dma_start3A_867 : memref<1x128xi32, #tpu.memory_space<vmem>> -> memref<128xi32, #tpu.memory_space<vmem>>
    %dma_start3A_869 = arith.constant 0 : i32
    %dma_start3A_870 = tpu.memref_slice %arg5[%dma_start3A_869] : memref<200000xf32, #tpu.memory_space<hbm>> -> memref<200000xf32, #tpu.memory_space<hbm>>
    tpu.enqueue_indirect_dma source(%dma_start3A_870 : memref<200000xf32, #tpu.memory_space<hbm>>) target(%dma_start3A_865 : memref<128xf32, #tpu.memory_space<vmem>>) offsets(%dma_start3A_868 : memref<128xi32, #tpu.memory_space<vmem>>) semaphore(%arg18 : memref<!tpu.dma_semaphore, #tpu.memory_space<semaphore_mem>>)
    %dma_start3A_871 = arith.constant 0 : i32
    %dma_start3A_872 = arith.constant 512 : i32
    %dma_start3A_873 = tpu.memref_slice %arg17[%dma_start3A_872] : memref<1024xf32, #tpu.memory_space<vmem>> -> memref<128xf32, #tpu.memory_space<vmem>>
    %dma_start3A_874 = arith.constant 0 : i32
    %dma_start3A_875 = tpu.memref_slice %arg12[%dma_start3A_871, %dma_start3A_874] : memref<4x128xi32, #tpu.memory_space<vmem>> -> memref<1x128xi32, #tpu.memory_space<vmem>>
    %dma_start3A_876 = tpu.memref_squeeze %dma_start3A_875 : memref<1x128xi32, #tpu.memory_space<vmem>> -> memref<128xi32, #tpu.memory_space<vmem>>
    %dma_start3A_877 = arith.constant 0 : i32
    %dma_start3A_878 = tpu.memref_slice %arg5[%dma_start3A_877] : memref<200000xf32, #tpu.memory_space<hbm>> -> memref<200000xf32, #tpu.memory_space<hbm>>
    tpu.enqueue_indirect_dma source(%dma_start3A_878 : memref<200000xf32, #tpu.memory_space<hbm>>) target(%dma_start3A_873 : memref<128xf32, #tpu.memory_space<vmem>>) offsets(%dma_start3A_876 : memref<128xi32, #tpu.memory_space<vmem>>) semaphore(%arg18 : memref<!tpu.dma_semaphore, #tpu.memory_space<semaphore_mem>>)
    %dma_start3A_879 = arith.constant 0 : i32
    %dma_start3A_880 = arith.constant 0 : i32
    %dma_start3A_881 = tpu.memref_slice %arg16[%dma_start3A_880] : memref<512xf32, #tpu.memory_space<vmem>> -> memref<128xf32, #tpu.memory_space<vmem>>
    %dma_start3A_882 = arith.constant 0 : i32
    %dma_start3A_883 = tpu.memref_slice %arg11[%dma_start3A_879, %dma_start3A_882] : memref<4x128xi32, #tpu.memory_space<vmem>> -> memref<1x128xi32, #tpu.memory_space<vmem>>
    %dma_start3A_884 = tpu.memref_squeeze %dma_start3A_883 : memref<1x128xi32, #tpu.memory_space<vmem>> -> memref<128xi32, #tpu.memory_space<vmem>>
    %dma_start3A_885 = arith.constant 0 : i32
    %dma_start3A_886 = tpu.memref_slice %arg4[%dma_start3A_885] : memref<100000xf32, #tpu.memory_space<hbm>> -> memref<100000xf32, #tpu.memory_space<hbm>>
    tpu.enqueue_indirect_dma source(%dma_start3A_886 : memref<100000xf32, #tpu.memory_space<hbm>>) target(%dma_start3A_881 : memref<128xf32, #tpu.memory_space<vmem>>) offsets(%dma_start3A_884 : memref<128xi32, #tpu.memory_space<vmem>>) semaphore(%arg18 : memref<!tpu.dma_semaphore, #tpu.memory_space<semaphore_mem>>)
    %dma_start3A_887 = arith.constant 1 : i32
    %dma_start3A_888 = arith.constant 128 : i32
    %dma_start3A_889 = tpu.memref_slice %arg14[%dma_start3A_888] : memref<1536xf32, #tpu.memory_space<vmem>> -> memref<128xf32, #tpu.memory_space<vmem>>
    %dma_start3A_890 = arith.constant 0 : i32
    %dma_start3A_891 = tpu.memref_slice %arg11[%dma_start3A_887, %dma_start3A_890] : memref<4x128xi32, #tpu.memory_space<vmem>> -> memref<1x128xi32, #tpu.memory_space<vmem>>
    %dma_start3A_892 = tpu.memref_squeeze %dma_start3A_891 : memref<1x128xi32, #tpu.memory_space<vmem>> -> memref<128xi32, #tpu.memory_space<vmem>>
    %dma_start3A_893 = arith.constant 0 : i32
    %dma_start3A_894 = tpu.memref_slice %arg2[%dma_start3A_893] : memref<300000xf32, #tpu.memory_space<hbm>> -> memref<300000xf32, #tpu.memory_space<hbm>>
    tpu.enqueue_indirect_dma source(%dma_start3A_894 : memref<300000xf32, #tpu.memory_space<hbm>>) target(%dma_start3A_889 : memref<128xf32, #tpu.memory_space<vmem>>) offsets(%dma_start3A_892 : memref<128xi32, #tpu.memory_space<vmem>>) semaphore(%arg18 : memref<!tpu.dma_semaphore, #tpu.memory_space<semaphore_mem>>)
    %dma_start3A_895 = arith.constant 1 : i32
    %dma_start3A_896 = arith.constant 640 : i32
    %dma_start3A_897 = tpu.memref_slice %arg14[%dma_start3A_896] : memref<1536xf32, #tpu.memory_space<vmem>> -> memref<128xf32, #tpu.memory_space<vmem>>
    %dma_start3A_898 = arith.constant 0 : i32
    %dma_start3A_899 = tpu.memref_slice %arg12[%dma_start3A_895, %dma_start3A_898] : memref<4x128xi32, #tpu.memory_space<vmem>> -> memref<1x128xi32, #tpu.memory_space<vmem>>
    %dma_start3A_900 = tpu.memref_squeeze %dma_start3A_899 : memref<1x128xi32, #tpu.memory_space<vmem>> -> memref<128xi32, #tpu.memory_space<vmem>>
    %dma_start3A_901 = arith.constant 0 : i32
    %dma_start3A_902 = tpu.memref_slice %arg2[%dma_start3A_901] : memref<300000xf32, #tpu.memory_space<hbm>> -> memref<300000xf32, #tpu.memory_space<hbm>>
    tpu.enqueue_indirect_dma source(%dma_start3A_902 : memref<300000xf32, #tpu.memory_space<hbm>>) target(%dma_start3A_897 : memref<128xf32, #tpu.memory_space<vmem>>) offsets(%dma_start3A_900 : memref<128xi32, #tpu.memory_space<vmem>>) semaphore(%arg18 : memref<!tpu.dma_semaphore, #tpu.memory_space<semaphore_mem>>)
    %dma_start3A_903 = arith.constant 1 : i32
    %dma_start3A_904 = arith.constant 1152 : i32
    %dma_start3A_905 = tpu.memref_slice %arg14[%dma_start3A_904] : memref<1536xf32, #tpu.memory_space<vmem>> -> memref<128xf32, #tpu.memory_space<vmem>>
    %dma_start3A_906 = arith.constant 0 : i32
    %dma_start3A_907 = tpu.memref_slice %arg13[%dma_start3A_903, %dma_start3A_906] : memref<4x128xi32, #tpu.memory_space<vmem>> -> memref<1x128xi32, #tpu.memory_space<vmem>>
    %dma_start3A_908 = tpu.memref_squeeze %dma_start3A_907 : memref<1x128xi32, #tpu.memory_space<vmem>> -> memref<128xi32, #tpu.memory_space<vmem>>
    %dma_start3A_909 = arith.constant 0 : i32
    %dma_start3A_910 = tpu.memref_slice %arg2[%dma_start3A_909] : memref<300000xf32, #tpu.memory_space<hbm>> -> memref<300000xf32, #tpu.memory_space<hbm>>
    tpu.enqueue_indirect_dma source(%dma_start3A_910 : memref<300000xf32, #tpu.memory_space<hbm>>) target(%dma_start3A_905 : memref<128xf32, #tpu.memory_space<vmem>>) offsets(%dma_start3A_908 : memref<128xi32, #tpu.memory_space<vmem>>) semaphore(%arg18 : memref<!tpu.dma_semaphore, #tpu.memory_space<semaphore_mem>>)
    %dma_start3A_911 = arith.constant 1 : i32
    %dma_start3A_912 = arith.constant 128 : i32
    %dma_start3A_913 = tpu.memref_slice %arg15[%dma_start3A_912] : memref<1536xf32, #tpu.memory_space<vmem>> -> memref<128xf32, #tpu.memory_space<vmem>>
    %dma_start3A_914 = arith.constant 0 : i32
    %dma_start3A_915 = tpu.memref_slice %arg11[%dma_start3A_911, %dma_start3A_914] : memref<4x128xi32, #tpu.memory_space<vmem>> -> memref<1x128xi32, #tpu.memory_space<vmem>>
    %dma_start3A_916 = tpu.memref_squeeze %dma_start3A_915 : memref<1x128xi32, #tpu.memory_space<vmem>> -> memref<128xi32, #tpu.memory_space<vmem>>
    %dma_start3A_917 = arith.constant 0 : i32
    %dma_start3A_918 = tpu.memref_slice %arg3[%dma_start3A_917] : memref<300000xf32, #tpu.memory_space<hbm>> -> memref<300000xf32, #tpu.memory_space<hbm>>
    tpu.enqueue_indirect_dma source(%dma_start3A_918 : memref<300000xf32, #tpu.memory_space<hbm>>) target(%dma_start3A_913 : memref<128xf32, #tpu.memory_space<vmem>>) offsets(%dma_start3A_916 : memref<128xi32, #tpu.memory_space<vmem>>) semaphore(%arg18 : memref<!tpu.dma_semaphore, #tpu.memory_space<semaphore_mem>>)
    %dma_start3A_919 = arith.constant 1 : i32
    %dma_start3A_920 = arith.constant 640 : i32
    %dma_start3A_921 = tpu.memref_slice %arg15[%dma_start3A_920] : memref<1536xf32, #tpu.memory_space<vmem>> -> memref<128xf32, #tpu.memory_space<vmem>>
    %dma_start3A_922 = arith.constant 0 : i32
    %dma_start3A_923 = tpu.memref_slice %arg12[%dma_start3A_919, %dma_start3A_922] : memref<4x128xi32, #tpu.memory_space<vmem>> -> memref<1x128xi32, #tpu.memory_space<vmem>>
    %dma_start3A_924 = tpu.memref_squeeze %dma_start3A_923 : memref<1x128xi32, #tpu.memory_space<vmem>> -> memref<128xi32, #tpu.memory_space<vmem>>
    %dma_start3A_925 = arith.constant 0 : i32
    %dma_start3A_926 = tpu.memref_slice %arg3[%dma_start3A_925] : memref<300000xf32, #tpu.memory_space<hbm>> -> memref<300000xf32, #tpu.memory_space<hbm>>
    tpu.enqueue_indirect_dma source(%dma_start3A_926 : memref<300000xf32, #tpu.memory_space<hbm>>) target(%dma_start3A_921 : memref<128xf32, #tpu.memory_space<vmem>>) offsets(%dma_start3A_924 : memref<128xi32, #tpu.memory_space<vmem>>) semaphore(%arg18 : memref<!tpu.dma_semaphore, #tpu.memory_space<semaphore_mem>>)
    %dma_start3A_927 = arith.constant 1 : i32
    %dma_start3A_928 = arith.constant 1152 : i32
    %dma_start3A_929 = tpu.memref_slice %arg15[%dma_start3A_928] : memref<1536xf32, #tpu.memory_space<vmem>> -> memref<128xf32, #tpu.memory_space<vmem>>
    %dma_start3A_930 = arith.constant 0 : i32
    %dma_start3A_931 = tpu.memref_slice %arg13[%dma_start3A_927, %dma_start3A_930] : memref<4x128xi32, #tpu.memory_space<vmem>> -> memref<1x128xi32, #tpu.memory_space<vmem>>
    %dma_start3A_932 = tpu.memref_squeeze %dma_start3A_931 : memref<1x128xi32, #tpu.memory_space<vmem>> -> memref<128xi32, #tpu.memory_space<vmem>>
    %dma_start3A_933 = arith.constant 0 : i32
    %dma_start3A_934 = tpu.memref_slice %arg3[%dma_start3A_933] : memref<300000xf32, #tpu.memory_space<hbm>> -> memref<300000xf32, #tpu.memory_space<hbm>>
    tpu.enqueue_indirect_dma source(%dma_start3A_934 : memref<300000xf32, #tpu.memory_space<hbm>>) target(%dma_start3A_929 : memref<128xf32, #tpu.memory_space<vmem>>) offsets(%dma_start3A_932 : memref<128xi32, #tpu.memory_space<vmem>>) semaphore(%arg18 : memref<!tpu.dma_semaphore, #tpu.memory_space<semaphore_mem>>)
    %dma_start3A_935 = arith.constant 1 : i32
    %dma_start3A_936 = arith.constant 128 : i32
    %dma_start3A_937 = tpu.memref_slice %arg17[%dma_start3A_936] : memref<1024xf32, #tpu.memory_space<vmem>> -> memref<128xf32, #tpu.memory_space<vmem>>
    %dma_start3A_938 = arith.constant 0 : i32
    %dma_start3A_939 = tpu.memref_slice %arg11[%dma_start3A_935, %dma_start3A_938] : memref<4x128xi32, #tpu.memory_space<vmem>> -> memref<1x128xi32, #tpu.memory_space<vmem>>
    %dma_start3A_940 = tpu.memref_squeeze %dma_start3A_939 : memref<1x128xi32, #tpu.memory_space<vmem>> -> memref<128xi32, #tpu.memory_space<vmem>>
    %dma_start3A_941 = arith.constant 0 : i32
    %dma_start3A_942 = tpu.memref_slice %arg5[%dma_start3A_941] : memref<200000xf32, #tpu.memory_space<hbm>> -> memref<200000xf32, #tpu.memory_space<hbm>>
    tpu.enqueue_indirect_dma source(%dma_start3A_942 : memref<200000xf32, #tpu.memory_space<hbm>>) target(%dma_start3A_937 : memref<128xf32, #tpu.memory_space<vmem>>) offsets(%dma_start3A_940 : memref<128xi32, #tpu.memory_space<vmem>>) semaphore(%arg18 : memref<!tpu.dma_semaphore, #tpu.memory_space<semaphore_mem>>)
    %dma_start3A_943 = arith.constant 1 : i32
    %dma_start3A_944 = arith.constant 640 : i32
    %dma_start3A_945 = tpu.memref_slice %arg17[%dma_start3A_944] : memref<1024xf32, #tpu.memory_space<vmem>> -> memref<128xf32, #tpu.memory_space<vmem>>
    %dma_start3A_946 = arith.constant 0 : i32
    %dma_start3A_947 = tpu.memref_slice %arg12[%dma_start3A_943, %dma_start3A_946] : memref<4x128xi32, #tpu.memory_space<vmem>> -> memref<1x128xi32, #tpu.memory_space<vmem>>
    %dma_start3A_948 = tpu.memref_squeeze %dma_start3A_947 : memref<1x128xi32, #tpu.memory_space<vmem>> -> memref<128xi32, #tpu.memory_space<vmem>>
    %dma_start3A_949 = arith.constant 0 : i32
    %dma_start3A_950 = tpu.memref_slice %arg5[%dma_start3A_949] : memref<200000xf32, #tpu.memory_space<hbm>> -> memref<200000xf32, #tpu.memory_space<hbm>>
    tpu.enqueue_indirect_dma source(%dma_start3A_950 : memref<200000xf32, #tpu.memory_space<hbm>>) target(%dma_start3A_945 : memref<128xf32, #tpu.memory_space<vmem>>) offsets(%dma_start3A_948 : memref<128xi32, #tpu.memory_space<vmem>>) semaphore(%arg18 : memref<!tpu.dma_semaphore, #tpu.memory_space<semaphore_mem>>)
    %dma_start3A_951 = arith.constant 1 : i32
    %dma_start3A_952 = arith.constant 128 : i32
    %dma_start3A_953 = tpu.memref_slice %arg16[%dma_start3A_952] : memref<512xf32, #tpu.memory_space<vmem>> -> memref<128xf32, #tpu.memory_space<vmem>>
    %dma_start3A_954 = arith.constant 0 : i32
    %dma_start3A_955 = tpu.memref_slice %arg11[%dma_start3A_951, %dma_start3A_954] : memref<4x128xi32, #tpu.memory_space<vmem>> -> memref<1x128xi32, #tpu.memory_space<vmem>>
    %dma_start3A_956 = tpu.memref_squeeze %dma_start3A_955 : memref<1x128xi32, #tpu.memory_space<vmem>> -> memref<128xi32, #tpu.memory_space<vmem>>
    %dma_start3A_957 = arith.constant 0 : i32
    %dma_start3A_958 = tpu.memref_slice %arg4[%dma_start3A_957] : memref<100000xf32, #tpu.memory_space<hbm>> -> memref<100000xf32, #tpu.memory_space<hbm>>
    tpu.enqueue_indirect_dma source(%dma_start3A_958 : memref<100000xf32, #tpu.memory_space<hbm>>) target(%dma_start3A_953 : memref<128xf32, #tpu.memory_space<vmem>>) offsets(%dma_start3A_956 : memref<128xi32, #tpu.memory_space<vmem>>) semaphore(%arg18 : memref<!tpu.dma_semaphore, #tpu.memory_space<semaphore_mem>>)
    %dma_start3A_959 = arith.constant 2 : i32
    %dma_start3A_960 = arith.constant 256 : i32
    %dma_start3A_961 = tpu.memref_slice %arg14[%dma_start3A_960] : memref<1536xf32, #tpu.memory_space<vmem>> -> memref<128xf32, #tpu.memory_space<vmem>>
    %dma_start3A_962 = arith.constant 0 : i32
    %dma_start3A_963 = tpu.memref_slice %arg11[%dma_start3A_959, %dma_start3A_962] : memref<4x128xi32, #tpu.memory_space<vmem>> -> memref<1x128xi32, #tpu.memory_space<vmem>>
    %dma_start3A_964 = tpu.memref_squeeze %dma_start3A_963 : memref<1x128xi32, #tpu.memory_space<vmem>> -> memref<128xi32, #tpu.memory_space<vmem>>
    %dma_start3A_965 = arith.constant 0 : i32
    %dma_start3A_966 = tpu.memref_slice %arg2[%dma_start3A_965] : memref<300000xf32, #tpu.memory_space<hbm>> -> memref<300000xf32, #tpu.memory_space<hbm>>
    tpu.enqueue_indirect_dma source(%dma_start3A_966 : memref<300000xf32, #tpu.memory_space<hbm>>) target(%dma_start3A_961 : memref<128xf32, #tpu.memory_space<vmem>>) offsets(%dma_start3A_964 : memref<128xi32, #tpu.memory_space<vmem>>) semaphore(%arg18 : memref<!tpu.dma_semaphore, #tpu.memory_space<semaphore_mem>>)
    %dma_start3A_967 = arith.constant 2 : i32
    %dma_start3A_968 = arith.constant 768 : i32
    %dma_start3A_969 = tpu.memref_slice %arg14[%dma_start3A_968] : memref<1536xf32, #tpu.memory_space<vmem>> -> memref<128xf32, #tpu.memory_space<vmem>>
    %dma_start3A_970 = arith.constant 0 : i32
    %dma_start3A_971 = tpu.memref_slice %arg12[%dma_start3A_967, %dma_start3A_970] : memref<4x128xi32, #tpu.memory_space<vmem>> -> memref<1x128xi32, #tpu.memory_space<vmem>>
    %dma_start3A_972 = tpu.memref_squeeze %dma_start3A_971 : memref<1x128xi32, #tpu.memory_space<vmem>> -> memref<128xi32, #tpu.memory_space<vmem>>
    %dma_start3A_973 = arith.constant 0 : i32
    %dma_start3A_974 = tpu.memref_slice %arg2[%dma_start3A_973] : memref<300000xf32, #tpu.memory_space<hbm>> -> memref<300000xf32, #tpu.memory_space<hbm>>
    tpu.enqueue_indirect_dma source(%dma_start3A_974 : memref<300000xf32, #tpu.memory_space<hbm>>) target(%dma_start3A_969 : memref<128xf32, #tpu.memory_space<vmem>>) offsets(%dma_start3A_972 : memref<128xi32, #tpu.memory_space<vmem>>) semaphore(%arg18 : memref<!tpu.dma_semaphore, #tpu.memory_space<semaphore_mem>>)
    %dma_start3A_975 = arith.constant 2 : i32
    %dma_start3A_976 = arith.constant 1280 : i32
    %dma_start3A_977 = tpu.memref_slice %arg14[%dma_start3A_976] : memref<1536xf32, #tpu.memory_space<vmem>> -> memref<128xf32, #tpu.memory_space<vmem>>
    %dma_start3A_978 = arith.constant 0 : i32
    %dma_start3A_979 = tpu.memref_slice %arg13[%dma_start3A_975, %dma_start3A_978] : memref<4x128xi32, #tpu.memory_space<vmem>> -> memref<1x128xi32, #tpu.memory_space<vmem>>
    %dma_start3A_980 = tpu.memref_squeeze %dma_start3A_979 : memref<1x128xi32, #tpu.memory_space<vmem>> -> memref<128xi32, #tpu.memory_space<vmem>>
    %dma_start3A_981 = arith.constant 0 : i32
    %dma_start3A_982 = tpu.memref_slice %arg2[%dma_start3A_981] : memref<300000xf32, #tpu.memory_space<hbm>> -> memref<300000xf32, #tpu.memory_space<hbm>>
    tpu.enqueue_indirect_dma source(%dma_start3A_982 : memref<300000xf32, #tpu.memory_space<hbm>>) target(%dma_start3A_977 : memref<128xf32, #tpu.memory_space<vmem>>) offsets(%dma_start3A_980 : memref<128xi32, #tpu.memory_space<vmem>>) semaphore(%arg18 : memref<!tpu.dma_semaphore, #tpu.memory_space<semaphore_mem>>)
    %dma_start3A_983 = arith.constant 2 : i32
    %dma_start3A_984 = arith.constant 256 : i32
    %dma_start3A_985 = tpu.memref_slice %arg15[%dma_start3A_984] : memref<1536xf32, #tpu.memory_space<vmem>> -> memref<128xf32, #tpu.memory_space<vmem>>
    %dma_start3A_986 = arith.constant 0 : i32
    %dma_start3A_987 = tpu.memref_slice %arg11[%dma_start3A_983, %dma_start3A_986] : memref<4x128xi32, #tpu.memory_space<vmem>> -> memref<1x128xi32, #tpu.memory_space<vmem>>
    %dma_start3A_988 = tpu.memref_squeeze %dma_start3A_987 : memref<1x128xi32, #tpu.memory_space<vmem>> -> memref<128xi32, #tpu.memory_space<vmem>>
    %dma_start3A_989 = arith.constant 0 : i32
    %dma_start3A_990 = tpu.memref_slice %arg3[%dma_start3A_989] : memref<300000xf32, #tpu.memory_space<hbm>> -> memref<300000xf32, #tpu.memory_space<hbm>>
    tpu.enqueue_indirect_dma source(%dma_start3A_990 : memref<300000xf32, #tpu.memory_space<hbm>>) target(%dma_start3A_985 : memref<128xf32, #tpu.memory_space<vmem>>) offsets(%dma_start3A_988 : memref<128xi32, #tpu.memory_space<vmem>>) semaphore(%arg18 : memref<!tpu.dma_semaphore, #tpu.memory_space<semaphore_mem>>)
    %dma_start3A_991 = arith.constant 2 : i32
    %dma_start3A_992 = arith.constant 768 : i32
    %dma_start3A_993 = tpu.memref_slice %arg15[%dma_start3A_992] : memref<1536xf32, #tpu.memory_space<vmem>> -> memref<128xf32, #tpu.memory_space<vmem>>
    %dma_start3A_994 = arith.constant 0 : i32
    %dma_start3A_995 = tpu.memref_slice %arg12[%dma_start3A_991, %dma_start3A_994] : memref<4x128xi32, #tpu.memory_space<vmem>> -> memref<1x128xi32, #tpu.memory_space<vmem>>
    %dma_start3A_996 = tpu.memref_squeeze %dma_start3A_995 : memref<1x128xi32, #tpu.memory_space<vmem>> -> memref<128xi32, #tpu.memory_space<vmem>>
    %dma_start3A_997 = arith.constant 0 : i32
    %dma_start3A_998 = tpu.memref_slice %arg3[%dma_start3A_997] : memref<300000xf32, #tpu.memory_space<hbm>> -> memref<300000xf32, #tpu.memory_space<hbm>>
    tpu.enqueue_indirect_dma source(%dma_start3A_998 : memref<300000xf32, #tpu.memory_space<hbm>>) target(%dma_start3A_993 : memref<128xf32, #tpu.memory_space<vmem>>) offsets(%dma_start3A_996 : memref<128xi32, #tpu.memory_space<vmem>>) semaphore(%arg18 : memref<!tpu.dma_semaphore, #tpu.memory_space<semaphore_mem>>)
    %dma_start3A_999 = arith.constant 2 : i32
    %dma_start3A_1000 = arith.constant 1280 : i32
    %dma_start3A_1001 = tpu.memref_slice %arg15[%dma_start3A_1000] : memref<1536xf32, #tpu.memory_space<vmem>> -> memref<128xf32, #tpu.memory_space<vmem>>
    %dma_start3A_1002 = arith.constant 0 : i32
    %dma_start3A_1003 = tpu.memref_slice %arg13[%dma_start3A_999, %dma_start3A_1002] : memref<4x128xi32, #tpu.memory_space<vmem>> -> memref<1x128xi32, #tpu.memory_space<vmem>>
    %dma_start3A_1004 = tpu.memref_squeeze %dma_start3A_1003 : memref<1x128xi32, #tpu.memory_space<vmem>> -> memref<128xi32, #tpu.memory_space<vmem>>
    %dma_start3A_1005 = arith.constant 0 : i32
    %dma_start3A_1006 = tpu.memref_slice %arg3[%dma_start3A_1005] : memref<300000xf32, #tpu.memory_space<hbm>> -> memref<300000xf32, #tpu.memory_space<hbm>>
    tpu.enqueue_indirect_dma source(%dma_start3A_1006 : memref<300000xf32, #tpu.memory_space<hbm>>) target(%dma_start3A_1001 : memref<128xf32, #tpu.memory_space<vmem>>) offsets(%dma_start3A_1004 : memref<128xi32, #tpu.memory_space<vmem>>) semaphore(%arg18 : memref<!tpu.dma_semaphore, #tpu.memory_space<semaphore_mem>>)
    %dma_start3A_1007 = arith.constant 2 : i32
    %dma_start3A_1008 = arith.constant 256 : i32
    %dma_start3A_1009 = tpu.memref_slice %arg17[%dma_start3A_1008] : memref<1024xf32, #tpu.memory_space<vmem>> -> memref<128xf32, #tpu.memory_space<vmem>>
    %dma_start3A_1010 = arith.constant 0 : i32
    %dma_start3A_1011 = tpu.memref_slice %arg11[%dma_start3A_1007, %dma_start3A_1010] : memref<4x128xi32, #tpu.memory_space<vmem>> -> memref<1x128xi32, #tpu.memory_space<vmem>>
    %dma_start3A_1012 = tpu.memref_squeeze %dma_start3A_1011 : memref<1x128xi32, #tpu.memory_space<vmem>> -> memref<128xi32, #tpu.memory_space<vmem>>
    %dma_start3A_1013 = arith.constant 0 : i32
    %dma_start3A_1014 = tpu.memref_slice %arg5[%dma_start3A_1013] : memref<200000xf32, #tpu.memory_space<hbm>> -> memref<200000xf32, #tpu.memory_space<hbm>>
    tpu.enqueue_indirect_dma source(%dma_start3A_1014 : memref<200000xf32, #tpu.memory_space<hbm>>) target(%dma_start3A_1009 : memref<128xf32, #tpu.memory_space<vmem>>) offsets(%dma_start3A_1012 : memref<128xi32, #tpu.memory_space<vmem>>) semaphore(%arg18 : memref<!tpu.dma_semaphore, #tpu.memory_space<semaphore_mem>>)
    %dma_start3A_1015 = arith.constant 2 : i32
    %dma_start3A_1016 = arith.constant 768 : i32
    %dma_start3A_1017 = tpu.memref_slice %arg17[%dma_start3A_1016] : memref<1024xf32, #tpu.memory_space<vmem>> -> memref<128xf32, #tpu.memory_space<vmem>>
    %dma_start3A_1018 = arith.constant 0 : i32
    %dma_start3A_1019 = tpu.memref_slice %arg12[%dma_start3A_1015, %dma_start3A_1018] : memref<4x128xi32, #tpu.memory_space<vmem>> -> memref<1x128xi32, #tpu.memory_space<vmem>>
    %dma_start3A_1020 = tpu.memref_squeeze %dma_start3A_1019 : memref<1x128xi32, #tpu.memory_space<vmem>> -> memref<128xi32, #tpu.memory_space<vmem>>
    %dma_start3A_1021 = arith.constant 0 : i32
    %dma_start3A_1022 = tpu.memref_slice %arg5[%dma_start3A_1021] : memref<200000xf32, #tpu.memory_space<hbm>> -> memref<200000xf32, #tpu.memory_space<hbm>>
    tpu.enqueue_indirect_dma source(%dma_start3A_1022 : memref<200000xf32, #tpu.memory_space<hbm>>) target(%dma_start3A_1017 : memref<128xf32, #tpu.memory_space<vmem>>) offsets(%dma_start3A_1020 : memref<128xi32, #tpu.memory_space<vmem>>) semaphore(%arg18 : memref<!tpu.dma_semaphore, #tpu.memory_space<semaphore_mem>>)
    %dma_start3A_1023 = arith.constant 2 : i32
    %dma_start3A_1024 = arith.constant 256 : i32
    %dma_start3A_1025 = tpu.memref_slice %arg16[%dma_start3A_1024] : memref<512xf32, #tpu.memory_space<vmem>> -> memref<128xf32, #tpu.memory_space<vmem>>
    %dma_start3A_1026 = arith.constant 0 : i32
    %dma_start3A_1027 = tpu.memref_slice %arg11[%dma_start3A_1023, %dma_start3A_1026] : memref<4x128xi32, #tpu.memory_space<vmem>> -> memref<1x128xi32, #tpu.memory_space<vmem>>
    %dma_start3A_1028 = tpu.memref_squeeze %dma_start3A_1027 : memref<1x128xi32, #tpu.memory_space<vmem>> -> memref<128xi32, #tpu.memory_space<vmem>>
    %dma_start3A_1029 = arith.constant 0 : i32
    %dma_start3A_1030 = tpu.memref_slice %arg4[%dma_start3A_1029] : memref<100000xf32, #tpu.memory_space<hbm>> -> memref<100000xf32, #tpu.memory_space<hbm>>
    tpu.enqueue_indirect_dma source(%dma_start3A_1030 : memref<100000xf32, #tpu.memory_space<hbm>>) target(%dma_start3A_1025 : memref<128xf32, #tpu.memory_space<vmem>>) offsets(%dma_start3A_1028 : memref<128xi32, #tpu.memory_space<vmem>>) semaphore(%arg18 : memref<!tpu.dma_semaphore, #tpu.memory_space<semaphore_mem>>)
    %dma_start3A_1031 = arith.constant 3 : i32
    %dma_start3A_1032 = arith.constant 384 : i32
    %dma_start3A_1033 = tpu.memref_slice %arg14[%dma_start3A_1032] : memref<1536xf32, #tpu.memory_space<vmem>> -> memref<128xf32, #tpu.memory_space<vmem>>
    %dma_start3A_1034 = arith.constant 0 : i32
    %dma_start3A_1035 = tpu.memref_slice %arg11[%dma_start3A_1031, %dma_start3A_1034] : memref<4x128xi32, #tpu.memory_space<vmem>> -> memref<1x128xi32, #tpu.memory_space<vmem>>
    %dma_start3A_1036 = tpu.memref_squeeze %dma_start3A_1035 : memref<1x128xi32, #tpu.memory_space<vmem>> -> memref<128xi32, #tpu.memory_space<vmem>>
    %dma_start3A_1037 = arith.constant 0 : i32
    %dma_start3A_1038 = tpu.memref_slice %arg2[%dma_start3A_1037] : memref<300000xf32, #tpu.memory_space<hbm>> -> memref<300000xf32, #tpu.memory_space<hbm>>
    tpu.enqueue_indirect_dma source(%dma_start3A_1038 : memref<300000xf32, #tpu.memory_space<hbm>>) target(%dma_start3A_1033 : memref<128xf32, #tpu.memory_space<vmem>>) offsets(%dma_start3A_1036 : memref<128xi32, #tpu.memory_space<vmem>>) semaphore(%arg18 : memref<!tpu.dma_semaphore, #tpu.memory_space<semaphore_mem>>)
    %dma_start3A_1039 = arith.constant 3 : i32
    %dma_start3A_1040 = arith.constant 896 : i32
    %dma_start3A_1041 = tpu.memref_slice %arg14[%dma_start3A_1040] : memref<1536xf32, #tpu.memory_space<vmem>> -> memref<128xf32, #tpu.memory_space<vmem>>
    %dma_start3A_1042 = arith.constant 0 : i32
    %dma_start3A_1043 = tpu.memref_slice %arg12[%dma_start3A_1039, %dma_start3A_1042] : memref<4x128xi32, #tpu.memory_space<vmem>> -> memref<1x128xi32, #tpu.memory_space<vmem>>
    %dma_start3A_1044 = tpu.memref_squeeze %dma_start3A_1043 : memref<1x128xi32, #tpu.memory_space<vmem>> -> memref<128xi32, #tpu.memory_space<vmem>>
    %dma_start3A_1045 = arith.constant 0 : i32
    %dma_start3A_1046 = tpu.memref_slice %arg2[%dma_start3A_1045] : memref<300000xf32, #tpu.memory_space<hbm>> -> memref<300000xf32, #tpu.memory_space<hbm>>
    tpu.enqueue_indirect_dma source(%dma_start3A_1046 : memref<300000xf32, #tpu.memory_space<hbm>>) target(%dma_start3A_1041 : memref<128xf32, #tpu.memory_space<vmem>>) offsets(%dma_start3A_1044 : memref<128xi32, #tpu.memory_space<vmem>>) semaphore(%arg18 : memref<!tpu.dma_semaphore, #tpu.memory_space<semaphore_mem>>)
    %dma_start3A_1047 = arith.constant 3 : i32
    %dma_start3A_1048 = arith.constant 1408 : i32
    %dma_start3A_1049 = tpu.memref_slice %arg14[%dma_start3A_1048] : memref<1536xf32, #tpu.memory_space<vmem>> -> memref<128xf32, #tpu.memory_space<vmem>>
    %dma_start3A_1050 = arith.constant 0 : i32
    %dma_start3A_1051 = tpu.memref_slice %arg13[%dma_start3A_1047, %dma_start3A_1050] : memref<4x128xi32, #tpu.memory_space<vmem>> -> memref<1x128xi32, #tpu.memory_space<vmem>>
    %dma_start3A_1052 = tpu.memref_squeeze %dma_start3A_1051 : memref<1x128xi32, #tpu.memory_space<vmem>> -> memref<128xi32, #tpu.memory_space<vmem>>
    %dma_start3A_1053 = arith.constant 0 : i32
    %dma_start3A_1054 = tpu.memref_slice %arg2[%dma_start3A_1053] : memref<300000xf32, #tpu.memory_space<hbm>> -> memref<300000xf32, #tpu.memory_space<hbm>>
    tpu.enqueue_indirect_dma source(%dma_start3A_1054 : memref<300000xf32, #tpu.memory_space<hbm>>) target(%dma_start3A_1049 : memref<128xf32, #tpu.memory_space<vmem>>) offsets(%dma_start3A_1052 : memref<128xi32, #tpu.memory_space<vmem>>) semaphore(%arg18 : memref<!tpu.dma_semaphore, #tpu.memory_space<semaphore_mem>>)
    %dma_start3A_1055 = arith.constant 3 : i32
    %dma_start3A_1056 = arith.constant 384 : i32
    %dma_start3A_1057 = tpu.memref_slice %arg15[%dma_start3A_1056] : memref<1536xf32, #tpu.memory_space<vmem>> -> memref<128xf32, #tpu.memory_space<vmem>>
    %dma_start3A_1058 = arith.constant 0 : i32
    %dma_start3A_1059 = tpu.memref_slice %arg11[%dma_start3A_1055, %dma_start3A_1058] : memref<4x128xi32, #tpu.memory_space<vmem>> -> memref<1x128xi32, #tpu.memory_space<vmem>>
    %dma_start3A_1060 = tpu.memref_squeeze %dma_start3A_1059 : memref<1x128xi32, #tpu.memory_space<vmem>> -> memref<128xi32, #tpu.memory_space<vmem>>
    %dma_start3A_1061 = arith.constant 0 : i32
    %dma_start3A_1062 = tpu.memref_slice %arg3[%dma_start3A_1061] : memref<300000xf32, #tpu.memory_space<hbm>> -> memref<300000xf32, #tpu.memory_space<hbm>>
    tpu.enqueue_indirect_dma source(%dma_start3A_1062 : memref<300000xf32, #tpu.memory_space<hbm>>) target(%dma_start3A_1057 : memref<128xf32, #tpu.memory_space<vmem>>) offsets(%dma_start3A_1060 : memref<128xi32, #tpu.memory_space<vmem>>) semaphore(%arg18 : memref<!tpu.dma_semaphore, #tpu.memory_space<semaphore_mem>>)
    %dma_start3A_1063 = arith.constant 3 : i32
    %dma_start3A_1064 = arith.constant 896 : i32
    %dma_start3A_1065 = tpu.memref_slice %arg15[%dma_start3A_1064] : memref<1536xf32, #tpu.memory_space<vmem>> -> memref<128xf32, #tpu.memory_space<vmem>>
    %dma_start3A_1066 = arith.constant 0 : i32
    %dma_start3A_1067 = tpu.memref_slice %arg12[%dma_start3A_1063, %dma_start3A_1066] : memref<4x128xi32, #tpu.memory_space<vmem>> -> memref<1x128xi32, #tpu.memory_space<vmem>>
    %dma_start3A_1068 = tpu.memref_squeeze %dma_start3A_1067 : memref<1x128xi32, #tpu.memory_space<vmem>> -> memref<128xi32, #tpu.memory_space<vmem>>
    %dma_start3A_1069 = arith.constant 0 : i32
    %dma_start3A_1070 = tpu.memref_slice %arg3[%dma_start3A_1069] : memref<300000xf32, #tpu.memory_space<hbm>> -> memref<300000xf32, #tpu.memory_space<hbm>>
    tpu.enqueue_indirect_dma source(%dma_start3A_1070 : memref<300000xf32, #tpu.memory_space<hbm>>) target(%dma_start3A_1065 : memref<128xf32, #tpu.memory_space<vmem>>) offsets(%dma_start3A_1068 : memref<128xi32, #tpu.memory_space<vmem>>) semaphore(%arg18 : memref<!tpu.dma_semaphore, #tpu.memory_space<semaphore_mem>>)
    %dma_start3A_1071 = arith.constant 3 : i32
    %dma_start3A_1072 = arith.constant 1408 : i32
    %dma_start3A_1073 = tpu.memref_slice %arg15[%dma_start3A_1072] : memref<1536xf32, #tpu.memory_space<vmem>> -> memref<128xf32, #tpu.memory_space<vmem>>
    %dma_start3A_1074 = arith.constant 0 : i32
    %dma_start3A_1075 = tpu.memref_slice %arg13[%dma_start3A_1071, %dma_start3A_1074] : memref<4x128xi32, #tpu.memory_space<vmem>> -> memref<1x128xi32, #tpu.memory_space<vmem>>
    %dma_start3A_1076 = tpu.memref_squeeze %dma_start3A_1075 : memref<1x128xi32, #tpu.memory_space<vmem>> -> memref<128xi32, #tpu.memory_space<vmem>>
    %dma_start3A_1077 = arith.constant 0 : i32
    %dma_start3A_1078 = tpu.memref_slice %arg3[%dma_start3A_1077] : memref<300000xf32, #tpu.memory_space<hbm>> -> memref<300000xf32, #tpu.memory_space<hbm>>
    tpu.enqueue_indirect_dma source(%dma_start3A_1078 : memref<300000xf32, #tpu.memory_space<hbm>>) target(%dma_start3A_1073 : memref<128xf32, #tpu.memory_space<vmem>>) offsets(%dma_start3A_1076 : memref<128xi32, #tpu.memory_space<vmem>>) semaphore(%arg18 : memref<!tpu.dma_semaphore, #tpu.memory_space<semaphore_mem>>)
    %dma_start3A_1079 = arith.constant 3 : i32
    %dma_start3A_1080 = arith.constant 384 : i32
    %dma_start3A_1081 = tpu.memref_slice %arg17[%dma_start3A_1080] : memref<1024xf32, #tpu.memory_space<vmem>> -> memref<128xf32, #tpu.memory_space<vmem>>
    %dma_start3A_1082 = arith.constant 0 : i32
    %dma_start3A_1083 = tpu.memref_slice %arg11[%dma_start3A_1079, %dma_start3A_1082] : memref<4x128xi32, #tpu.memory_space<vmem>> -> memref<1x128xi32, #tpu.memory_space<vmem>>
    %dma_start3A_1084 = tpu.memref_squeeze %dma_start3A_1083 : memref<1x128xi32, #tpu.memory_space<vmem>> -> memref<128xi32, #tpu.memory_space<vmem>>
    %dma_start3A_1085 = arith.constant 0 : i32
    %dma_start3A_1086 = tpu.memref_slice %arg5[%dma_start3A_1085] : memref<200000xf32, #tpu.memory_space<hbm>> -> memref<200000xf32, #tpu.memory_space<hbm>>
    tpu.enqueue_indirect_dma source(%dma_start3A_1086 : memref<200000xf32, #tpu.memory_space<hbm>>) target(%dma_start3A_1081 : memref<128xf32, #tpu.memory_space<vmem>>) offsets(%dma_start3A_1084 : memref<128xi32, #tpu.memory_space<vmem>>) semaphore(%arg18 : memref<!tpu.dma_semaphore, #tpu.memory_space<semaphore_mem>>)
    %dma_start3A_1087 = arith.constant 3 : i32
    %dma_start3A_1088 = arith.constant 896 : i32
    %dma_start3A_1089 = tpu.memref_slice %arg17[%dma_start3A_1088] : memref<1024xf32, #tpu.memory_space<vmem>> -> memref<128xf32, #tpu.memory_space<vmem>>
    %dma_start3A_1090 = arith.constant 0 : i32
    %dma_start3A_1091 = tpu.memref_slice %arg12[%dma_start3A_1087, %dma_start3A_1090] : memref<4x128xi32, #tpu.memory_space<vmem>> -> memref<1x128xi32, #tpu.memory_space<vmem>>
    %dma_start3A_1092 = tpu.memref_squeeze %dma_start3A_1091 : memref<1x128xi32, #tpu.memory_space<vmem>> -> memref<128xi32, #tpu.memory_space<vmem>>
    %dma_start3A_1093 = arith.constant 0 : i32
    %dma_start3A_1094 = tpu.memref_slice %arg5[%dma_start3A_1093] : memref<200000xf32, #tpu.memory_space<hbm>> -> memref<200000xf32, #tpu.memory_space<hbm>>
    tpu.enqueue_indirect_dma source(%dma_start3A_1094 : memref<200000xf32, #tpu.memory_space<hbm>>) target(%dma_start3A_1089 : memref<128xf32, #tpu.memory_space<vmem>>) offsets(%dma_start3A_1092 : memref<128xi32, #tpu.memory_space<vmem>>) semaphore(%arg18 : memref<!tpu.dma_semaphore, #tpu.memory_space<semaphore_mem>>)
    %dma_start3A_1095 = arith.constant 3 : i32
    %dma_start3A_1096 = arith.constant 384 : i32
    %dma_start3A_1097 = tpu.memref_slice %arg16[%dma_start3A_1096] : memref<512xf32, #tpu.memory_space<vmem>> -> memref<128xf32, #tpu.memory_space<vmem>>
    %dma_start3A_1098 = arith.constant 0 : i32
    %dma_start3A_1099 = tpu.memref_slice %arg11[%dma_start3A_1095, %dma_start3A_1098] : memref<4x128xi32, #tpu.memory_space<vmem>> -> memref<1x128xi32, #tpu.memory_space<vmem>>
    %dma_start3A_1100 = tpu.memref_squeeze %dma_start3A_1099 : memref<1x128xi32, #tpu.memory_space<vmem>> -> memref<128xi32, #tpu.memory_space<vmem>>
    %dma_start3A_1101 = arith.constant 0 : i32
    %dma_start3A_1102 = tpu.memref_slice %arg4[%dma_start3A_1101] : memref<100000xf32, #tpu.memory_space<hbm>> -> memref<100000xf32, #tpu.memory_space<hbm>>
    tpu.enqueue_indirect_dma source(%dma_start3A_1102 : memref<100000xf32, #tpu.memory_space<hbm>>) target(%dma_start3A_1097 : memref<128xf32, #tpu.memory_space<vmem>>) offsets(%dma_start3A_1100 : memref<128xi32, #tpu.memory_space<vmem>>) semaphore(%arg18 : memref<!tpu.dma_semaphore, #tpu.memory_space<semaphore_mem>>)
    %dma_wait3A_1103 = arith.constant 0 : i32
    %dma_wait3A_1104 = tpu.memref_slice %arg2[%dma_wait3A_1103] : memref<300000xf32, #tpu.memory_space<hbm>> -> memref<1536xf32, #tpu.memory_space<hbm>>
    %dma_wait3A_1105 = arith.constant 0 : i32
    %dma_wait3A_1106 = tpu.memref_slice %arg2[%dma_wait3A_1105] : memref<300000xf32, #tpu.memory_space<hbm>> -> memref<1536xf32, #tpu.memory_space<hbm>>
    tpu.wait_dma2 semaphore(%arg18 : memref<!tpu.dma_semaphore, #tpu.memory_space<semaphore_mem>>) src(%dma_wait3A_1106 : memref<1536xf32, #tpu.memory_space<hbm>>) dst(%arg14 : memref<1536xf32, #tpu.memory_space<vmem>>)
    %dma_wait3A_1107 = arith.constant 0 : i32
    %dma_wait3A_1108 = tpu.memref_slice %arg3[%dma_wait3A_1107] : memref<300000xf32, #tpu.memory_space<hbm>> -> memref<1536xf32, #tpu.memory_space<hbm>>
    %dma_wait3A_1109 = arith.constant 0 : i32
    %dma_wait3A_1110 = tpu.memref_slice %arg3[%dma_wait3A_1109] : memref<300000xf32, #tpu.memory_space<hbm>> -> memref<1536xf32, #tpu.memory_space<hbm>>
    tpu.wait_dma2 semaphore(%arg18 : memref<!tpu.dma_semaphore, #tpu.memory_space<semaphore_mem>>) src(%dma_wait3A_1110 : memref<1536xf32, #tpu.memory_space<hbm>>) dst(%arg15 : memref<1536xf32, #tpu.memory_space<vmem>>)
    %dma_wait3A_1111 = arith.constant 0 : i32
    %dma_wait3A_1112 = tpu.memref_slice %arg4[%dma_wait3A_1111] : memref<100000xf32, #tpu.memory_space<hbm>> -> memref<512xf32, #tpu.memory_space<hbm>>
    %dma_wait3A_1113 = arith.constant 0 : i32
    %dma_wait3A_1114 = tpu.memref_slice %arg4[%dma_wait3A_1113] : memref<100000xf32, #tpu.memory_space<hbm>> -> memref<512xf32, #tpu.memory_space<hbm>>
    tpu.wait_dma2 semaphore(%arg18 : memref<!tpu.dma_semaphore, #tpu.memory_space<semaphore_mem>>) src(%dma_wait3A_1114 : memref<512xf32, #tpu.memory_space<hbm>>) dst(%arg16 : memref<512xf32, #tpu.memory_space<vmem>>)
    %dma_wait3A_1115 = arith.constant 0 : i32
    %dma_wait3A_1116 = tpu.memref_slice %arg5[%dma_wait3A_1115] : memref<200000xf32, #tpu.memory_space<hbm>> -> memref<1024xf32, #tpu.memory_space<hbm>>
    %dma_wait3A_1117 = arith.constant 0 : i32
    %dma_wait3A_1118 = tpu.memref_slice %arg5[%dma_wait3A_1117] : memref<200000xf32, #tpu.memory_space<hbm>> -> memref<1024xf32, #tpu.memory_space<hbm>>
    tpu.wait_dma2 semaphore(%arg18 : memref<!tpu.dma_semaphore, #tpu.memory_space<semaphore_mem>>) src(%dma_wait3A_1118 : memref<1024xf32, #tpu.memory_space<hbm>>) dst(%arg17 : memref<1024xf32, #tpu.memory_space<vmem>>)
    %add3A_1119 = arith.constant 0 : i32
    %add3A_1120 = arith.addi %add3A_1119, %mul3A_2 : i32
    %dma_start3A_1121 = arith.constant 0 : i32
    %dma_start3A_1122 = tpu.memref_slice %arg14[%dma_start3A_1121] : memref<1536xf32, #tpu.memory_space<vmem>> -> memref<512xf32, #tpu.memory_space<vmem>>
    %dma_start3A_1123 = tpu.memref_slice %arg7[%add3A_1120] : memref<49152xf32, #tpu.memory_space<hbm>> -> memref<512xf32, #tpu.memory_space<hbm>>
    %dma_start3A_1124 = tpu.memref_slice %arg7[%add3A_1120] : memref<49152xf32, #tpu.memory_space<hbm>> -> memref<512xf32, #tpu.memory_space<hbm>>
    %dma_start3A_1125 = arith.constant 0 : i32
    %dma_start3A_1126 = tpu.memref_slice %arg14[%dma_start3A_1125] : memref<1536xf32, #tpu.memory_space<vmem>> -> memref<512xf32, #tpu.memory_space<vmem>>
    tpu.enqueue_dma source(%dma_start3A_1126 : memref<512xf32, #tpu.memory_space<vmem>>) target(%dma_start3A_1124 : memref<512xf32, #tpu.memory_space<hbm>>) target_semaphore(%arg19 : memref<!tpu.dma_semaphore, #tpu.memory_space<semaphore_mem>>)
    %add3A_1127 = arith.constant 0 : i32
    %add3A_1128 = arith.addi %add3A_1127, %mul3A_2 : i32
    %dma_start3A_1129 = arith.constant 0 : i32
    %dma_start3A_1130 = tpu.memref_slice %arg15[%dma_start3A_1129] : memref<1536xf32, #tpu.memory_space<vmem>> -> memref<512xf32, #tpu.memory_space<vmem>>
    %dma_start3A_1131 = tpu.memref_slice %arg8[%add3A_1128] : memref<49152xf32, #tpu.memory_space<hbm>> -> memref<512xf32, #tpu.memory_space<hbm>>
    %dma_start3A_1132 = tpu.memref_slice %arg8[%add3A_1128] : memref<49152xf32, #tpu.memory_space<hbm>> -> memref<512xf32, #tpu.memory_space<hbm>>
    %dma_start3A_1133 = arith.constant 0 : i32
    %dma_start3A_1134 = tpu.memref_slice %arg15[%dma_start3A_1133] : memref<1536xf32, #tpu.memory_space<vmem>> -> memref<512xf32, #tpu.memory_space<vmem>>
    tpu.enqueue_dma source(%dma_start3A_1134 : memref<512xf32, #tpu.memory_space<vmem>>) target(%dma_start3A_1132 : memref<512xf32, #tpu.memory_space<hbm>>) target_semaphore(%arg19 : memref<!tpu.dma_semaphore, #tpu.memory_space<semaphore_mem>>)
    %add3A_1135 = arith.constant 16384 : i32
    %add3A_1136 = arith.addi %add3A_1135, %mul3A_2 : i32
    %dma_start3A_1137 = arith.constant 512 : i32
    %dma_start3A_1138 = tpu.memref_slice %arg14[%dma_start3A_1137] : memref<1536xf32, #tpu.memory_space<vmem>> -> memref<512xf32, #tpu.memory_space<vmem>>
    %dma_start3A_1139 = tpu.memref_slice %arg7[%add3A_1136] : memref<49152xf32, #tpu.memory_space<hbm>> -> memref<512xf32, #tpu.memory_space<hbm>>
    %dma_start3A_1140 = tpu.memref_slice %arg7[%add3A_1136] : memref<49152xf32, #tpu.memory_space<hbm>> -> memref<512xf32, #tpu.memory_space<hbm>>
    %dma_start3A_1141 = arith.constant 512 : i32
    %dma_start3A_1142 = tpu.memref_slice %arg14[%dma_start3A_1141] : memref<1536xf32, #tpu.memory_space<vmem>> -> memref<512xf32, #tpu.memory_space<vmem>>
    tpu.enqueue_dma source(%dma_start3A_1142 : memref<512xf32, #tpu.memory_space<vmem>>) target(%dma_start3A_1140 : memref<512xf32, #tpu.memory_space<hbm>>) target_semaphore(%arg19 : memref<!tpu.dma_semaphore, #tpu.memory_space<semaphore_mem>>)
    %add3A_1143 = arith.constant 16384 : i32
    %add3A_1144 = arith.addi %add3A_1143, %mul3A_2 : i32
    %dma_start3A_1145 = arith.constant 512 : i32
    %dma_start3A_1146 = tpu.memref_slice %arg15[%dma_start3A_1145] : memref<1536xf32, #tpu.memory_space<vmem>> -> memref<512xf32, #tpu.memory_space<vmem>>
    %dma_start3A_1147 = tpu.memref_slice %arg8[%add3A_1144] : memref<49152xf32, #tpu.memory_space<hbm>> -> memref<512xf32, #tpu.memory_space<hbm>>
    %dma_start3A_1148 = tpu.memref_slice %arg8[%add3A_1144] : memref<49152xf32, #tpu.memory_space<hbm>> -> memref<512xf32, #tpu.memory_space<hbm>>
    %dma_start3A_1149 = arith.constant 512 : i32
    %dma_start3A_1150 = tpu.memref_slice %arg15[%dma_start3A_1149] : memref<1536xf32, #tpu.memory_space<vmem>> -> memref<512xf32, #tpu.memory_space<vmem>>
    tpu.enqueue_dma source(%dma_start3A_1150 : memref<512xf32, #tpu.memory_space<vmem>>) target(%dma_start3A_1148 : memref<512xf32, #tpu.memory_space<hbm>>) target_semaphore(%arg19 : memref<!tpu.dma_semaphore, #tpu.memory_space<semaphore_mem>>)
    %add3A_1151 = arith.constant 32768 : i32
    %add3A_1152 = arith.addi %add3A_1151, %mul3A_2 : i32
    %dma_start3A_1153 = arith.constant 1024 : i32
    %dma_start3A_1154 = tpu.memref_slice %arg14[%dma_start3A_1153] : memref<1536xf32, #tpu.memory_space<vmem>> -> memref<512xf32, #tpu.memory_space<vmem>>
    %dma_start3A_1155 = tpu.memref_slice %arg7[%add3A_1152] : memref<49152xf32, #tpu.memory_space<hbm>> -> memref<512xf32, #tpu.memory_space<hbm>>
    %dma_start3A_1156 = tpu.memref_slice %arg7[%add3A_1152] : memref<49152xf32, #tpu.memory_space<hbm>> -> memref<512xf32, #tpu.memory_space<hbm>>
    %dma_start3A_1157 = arith.constant 1024 : i32
    %dma_start3A_1158 = tpu.memref_slice %arg14[%dma_start3A_1157] : memref<1536xf32, #tpu.memory_space<vmem>> -> memref<512xf32, #tpu.memory_space<vmem>>
    tpu.enqueue_dma source(%dma_start3A_1158 : memref<512xf32, #tpu.memory_space<vmem>>) target(%dma_start3A_1156 : memref<512xf32, #tpu.memory_space<hbm>>) target_semaphore(%arg19 : memref<!tpu.dma_semaphore, #tpu.memory_space<semaphore_mem>>)
    %add3A_1159 = arith.constant 32768 : i32
    %add3A_1160 = arith.addi %add3A_1159, %mul3A_2 : i32
    %dma_start3A_1161 = arith.constant 1024 : i32
    %dma_start3A_1162 = tpu.memref_slice %arg15[%dma_start3A_1161] : memref<1536xf32, #tpu.memory_space<vmem>> -> memref<512xf32, #tpu.memory_space<vmem>>
    %dma_start3A_1163 = tpu.memref_slice %arg8[%add3A_1160] : memref<49152xf32, #tpu.memory_space<hbm>> -> memref<512xf32, #tpu.memory_space<hbm>>
    %dma_start3A_1164 = tpu.memref_slice %arg8[%add3A_1160] : memref<49152xf32, #tpu.memory_space<hbm>> -> memref<512xf32, #tpu.memory_space<hbm>>
    %dma_start3A_1165 = arith.constant 1024 : i32
    %dma_start3A_1166 = tpu.memref_slice %arg15[%dma_start3A_1165] : memref<1536xf32, #tpu.memory_space<vmem>> -> memref<512xf32, #tpu.memory_space<vmem>>
    tpu.enqueue_dma source(%dma_start3A_1166 : memref<512xf32, #tpu.memory_space<vmem>>) target(%dma_start3A_1164 : memref<512xf32, #tpu.memory_space<hbm>>) target_semaphore(%arg19 : memref<!tpu.dma_semaphore, #tpu.memory_space<semaphore_mem>>)
    %add3A_1167 = arith.constant 0 : i32
    %add3A_1168 = arith.addi %add3A_1167, %mul3A_2 : i32
    %dma_start3A_1169 = arith.constant 0 : i32
    %dma_start3A_1170 = tpu.memref_slice %arg17[%dma_start3A_1169] : memref<1024xf32, #tpu.memory_space<vmem>> -> memref<512xf32, #tpu.memory_space<vmem>>
    %dma_start3A_1171 = tpu.memref_slice %arg10[%add3A_1168] : memref<32768xf32, #tpu.memory_space<hbm>> -> memref<512xf32, #tpu.memory_space<hbm>>
    %dma_start3A_1172 = tpu.memref_slice %arg10[%add3A_1168] : memref<32768xf32, #tpu.memory_space<hbm>> -> memref<512xf32, #tpu.memory_space<hbm>>
    %dma_start3A_1173 = arith.constant 0 : i32
    %dma_start3A_1174 = tpu.memref_slice %arg17[%dma_start3A_1173] : memref<1024xf32, #tpu.memory_space<vmem>> -> memref<512xf32, #tpu.memory_space<vmem>>
    tpu.enqueue_dma source(%dma_start3A_1174 : memref<512xf32, #tpu.memory_space<vmem>>) target(%dma_start3A_1172 : memref<512xf32, #tpu.memory_space<hbm>>) target_semaphore(%arg19 : memref<!tpu.dma_semaphore, #tpu.memory_space<semaphore_mem>>)
    %add3A_1175 = arith.constant 16384 : i32
    %add3A_1176 = arith.addi %add3A_1175, %mul3A_2 : i32
    %dma_start3A_1177 = arith.constant 512 : i32
    %dma_start3A_1178 = tpu.memref_slice %arg17[%dma_start3A_1177] : memref<1024xf32, #tpu.memory_space<vmem>> -> memref<512xf32, #tpu.memory_space<vmem>>
    %dma_start3A_1179 = tpu.memref_slice %arg10[%add3A_1176] : memref<32768xf32, #tpu.memory_space<hbm>> -> memref<512xf32, #tpu.memory_space<hbm>>
    %dma_start3A_1180 = tpu.memref_slice %arg10[%add3A_1176] : memref<32768xf32, #tpu.memory_space<hbm>> -> memref<512xf32, #tpu.memory_space<hbm>>
    %dma_start3A_1181 = arith.constant 512 : i32
    %dma_start3A_1182 = tpu.memref_slice %arg17[%dma_start3A_1181] : memref<1024xf32, #tpu.memory_space<vmem>> -> memref<512xf32, #tpu.memory_space<vmem>>
    tpu.enqueue_dma source(%dma_start3A_1182 : memref<512xf32, #tpu.memory_space<vmem>>) target(%dma_start3A_1180 : memref<512xf32, #tpu.memory_space<hbm>>) target_semaphore(%arg19 : memref<!tpu.dma_semaphore, #tpu.memory_space<semaphore_mem>>)
    %dma_start3A_1183 = tpu.memref_slice %arg9[%mul3A_2] : memref<16384xf32, #tpu.memory_space<hbm>> -> memref<512xf32, #tpu.memory_space<hbm>>
    %dma_start3A_1184 = tpu.memref_slice %arg9[%mul3A_2] : memref<16384xf32, #tpu.memory_space<hbm>> -> memref<512xf32, #tpu.memory_space<hbm>>
    tpu.enqueue_dma source(%arg16 : memref<512xf32, #tpu.memory_space<vmem>>) target(%dma_start3A_1184 : memref<512xf32, #tpu.memory_space<hbm>>) target_semaphore(%arg19 : memref<!tpu.dma_semaphore, #tpu.memory_space<semaphore_mem>>)
    %dma_wait3A_1185 = arith.constant 0 : i32
    %dma_wait3A_1186 = tpu.memref_slice %arg14[%dma_wait3A_1185] : memref<1536xf32, #tpu.memory_space<vmem>> -> memref<512xf32, #tpu.memory_space<vmem>>
    %dma_wait3A_1187 = tpu.memref_slice %arg7[%add3A_1120] : memref<49152xf32, #tpu.memory_space<hbm>> -> memref<512xf32, #tpu.memory_space<hbm>>
    %dma_wait3A_1188 = tpu.memref_slice %arg7[%add3A_1120] : memref<49152xf32, #tpu.memory_space<hbm>> -> memref<512xf32, #tpu.memory_space<hbm>>
    %dma_wait3A_1189 = arith.constant 0 : i32
    %dma_wait3A_1190 = tpu.memref_slice %arg14[%dma_wait3A_1189] : memref<1536xf32, #tpu.memory_space<vmem>> -> memref<512xf32, #tpu.memory_space<vmem>>
    tpu.wait_dma2 semaphore(%arg19 : memref<!tpu.dma_semaphore, #tpu.memory_space<semaphore_mem>>) src(%dma_wait3A_1190 : memref<512xf32, #tpu.memory_space<vmem>>) dst(%dma_wait3A_1188 : memref<512xf32, #tpu.memory_space<hbm>>)
    %dma_wait3A_1191 = arith.constant 0 : i32
    %dma_wait3A_1192 = tpu.memref_slice %arg15[%dma_wait3A_1191] : memref<1536xf32, #tpu.memory_space<vmem>> -> memref<512xf32, #tpu.memory_space<vmem>>
    %dma_wait3A_1193 = tpu.memref_slice %arg8[%add3A_1128] : memref<49152xf32, #tpu.memory_space<hbm>> -> memref<512xf32, #tpu.memory_space<hbm>>
    %dma_wait3A_1194 = tpu.memref_slice %arg8[%add3A_1128] : memref<49152xf32, #tpu.memory_space<hbm>> -> memref<512xf32, #tpu.memory_space<hbm>>
    %dma_wait3A_1195 = arith.constant 0 : i32
    %dma_wait3A_1196 = tpu.memref_slice %arg15[%dma_wait3A_1195] : memref<1536xf32, #tpu.memory_space<vmem>> -> memref<512xf32, #tpu.memory_space<vmem>>
    tpu.wait_dma2 semaphore(%arg19 : memref<!tpu.dma_semaphore, #tpu.memory_space<semaphore_mem>>) src(%dma_wait3A_1196 : memref<512xf32, #tpu.memory_space<vmem>>) dst(%dma_wait3A_1194 : memref<512xf32, #tpu.memory_space<hbm>>)
    %dma_wait3A_1197 = arith.constant 512 : i32
    %dma_wait3A_1198 = tpu.memref_slice %arg14[%dma_wait3A_1197] : memref<1536xf32, #tpu.memory_space<vmem>> -> memref<512xf32, #tpu.memory_space<vmem>>
    %dma_wait3A_1199 = tpu.memref_slice %arg7[%add3A_1136] : memref<49152xf32, #tpu.memory_space<hbm>> -> memref<512xf32, #tpu.memory_space<hbm>>
    %dma_wait3A_1200 = tpu.memref_slice %arg7[%add3A_1136] : memref<49152xf32, #tpu.memory_space<hbm>> -> memref<512xf32, #tpu.memory_space<hbm>>
    %dma_wait3A_1201 = arith.constant 512 : i32
    %dma_wait3A_1202 = tpu.memref_slice %arg14[%dma_wait3A_1201] : memref<1536xf32, #tpu.memory_space<vmem>> -> memref<512xf32, #tpu.memory_space<vmem>>
    tpu.wait_dma2 semaphore(%arg19 : memref<!tpu.dma_semaphore, #tpu.memory_space<semaphore_mem>>) src(%dma_wait3A_1202 : memref<512xf32, #tpu.memory_space<vmem>>) dst(%dma_wait3A_1200 : memref<512xf32, #tpu.memory_space<hbm>>)
    %dma_wait3A_1203 = arith.constant 512 : i32
    %dma_wait3A_1204 = tpu.memref_slice %arg15[%dma_wait3A_1203] : memref<1536xf32, #tpu.memory_space<vmem>> -> memref<512xf32, #tpu.memory_space<vmem>>
    %dma_wait3A_1205 = tpu.memref_slice %arg8[%add3A_1144] : memref<49152xf32, #tpu.memory_space<hbm>> -> memref<512xf32, #tpu.memory_space<hbm>>
    %dma_wait3A_1206 = tpu.memref_slice %arg8[%add3A_1144] : memref<49152xf32, #tpu.memory_space<hbm>> -> memref<512xf32, #tpu.memory_space<hbm>>
    %dma_wait3A_1207 = arith.constant 512 : i32
    %dma_wait3A_1208 = tpu.memref_slice %arg15[%dma_wait3A_1207] : memref<1536xf32, #tpu.memory_space<vmem>> -> memref<512xf32, #tpu.memory_space<vmem>>
    tpu.wait_dma2 semaphore(%arg19 : memref<!tpu.dma_semaphore, #tpu.memory_space<semaphore_mem>>) src(%dma_wait3A_1208 : memref<512xf32, #tpu.memory_space<vmem>>) dst(%dma_wait3A_1206 : memref<512xf32, #tpu.memory_space<hbm>>)
    %dma_wait3A_1209 = arith.constant 1024 : i32
    %dma_wait3A_1210 = tpu.memref_slice %arg14[%dma_wait3A_1209] : memref<1536xf32, #tpu.memory_space<vmem>> -> memref<512xf32, #tpu.memory_space<vmem>>
    %dma_wait3A_1211 = tpu.memref_slice %arg7[%add3A_1152] : memref<49152xf32, #tpu.memory_space<hbm>> -> memref<512xf32, #tpu.memory_space<hbm>>
    %dma_wait3A_1212 = tpu.memref_slice %arg7[%add3A_1152] : memref<49152xf32, #tpu.memory_space<hbm>> -> memref<512xf32, #tpu.memory_space<hbm>>
    %dma_wait3A_1213 = arith.constant 1024 : i32
    %dma_wait3A_1214 = tpu.memref_slice %arg14[%dma_wait3A_1213] : memref<1536xf32, #tpu.memory_space<vmem>> -> memref<512xf32, #tpu.memory_space<vmem>>
    tpu.wait_dma2 semaphore(%arg19 : memref<!tpu.dma_semaphore, #tpu.memory_space<semaphore_mem>>) src(%dma_wait3A_1214 : memref<512xf32, #tpu.memory_space<vmem>>) dst(%dma_wait3A_1212 : memref<512xf32, #tpu.memory_space<hbm>>)
    %dma_wait3A_1215 = arith.constant 1024 : i32
    %dma_wait3A_1216 = tpu.memref_slice %arg15[%dma_wait3A_1215] : memref<1536xf32, #tpu.memory_space<vmem>> -> memref<512xf32, #tpu.memory_space<vmem>>
    %dma_wait3A_1217 = tpu.memref_slice %arg8[%add3A_1160] : memref<49152xf32, #tpu.memory_space<hbm>> -> memref<512xf32, #tpu.memory_space<hbm>>
    %dma_wait3A_1218 = tpu.memref_slice %arg8[%add3A_1160] : memref<49152xf32, #tpu.memory_space<hbm>> -> memref<512xf32, #tpu.memory_space<hbm>>
    %dma_wait3A_1219 = arith.constant 1024 : i32
    %dma_wait3A_1220 = tpu.memref_slice %arg15[%dma_wait3A_1219] : memref<1536xf32, #tpu.memory_space<vmem>> -> memref<512xf32, #tpu.memory_space<vmem>>
    tpu.wait_dma2 semaphore(%arg19 : memref<!tpu.dma_semaphore, #tpu.memory_space<semaphore_mem>>) src(%dma_wait3A_1220 : memref<512xf32, #tpu.memory_space<vmem>>) dst(%dma_wait3A_1218 : memref<512xf32, #tpu.memory_space<hbm>>)
    %dma_wait3A_1221 = arith.constant 0 : i32
    %dma_wait3A_1222 = tpu.memref_slice %arg17[%dma_wait3A_1221] : memref<1024xf32, #tpu.memory_space<vmem>> -> memref<512xf32, #tpu.memory_space<vmem>>
    %dma_wait3A_1223 = tpu.memref_slice %arg10[%add3A_1168] : memref<32768xf32, #tpu.memory_space<hbm>> -> memref<512xf32, #tpu.memory_space<hbm>>
    %dma_wait3A_1224 = tpu.memref_slice %arg10[%add3A_1168] : memref<32768xf32, #tpu.memory_space<hbm>> -> memref<512xf32, #tpu.memory_space<hbm>>
    %dma_wait3A_1225 = arith.constant 0 : i32
    %dma_wait3A_1226 = tpu.memref_slice %arg17[%dma_wait3A_1225] : memref<1024xf32, #tpu.memory_space<vmem>> -> memref<512xf32, #tpu.memory_space<vmem>>
    tpu.wait_dma2 semaphore(%arg19 : memref<!tpu.dma_semaphore, #tpu.memory_space<semaphore_mem>>) src(%dma_wait3A_1226 : memref<512xf32, #tpu.memory_space<vmem>>) dst(%dma_wait3A_1224 : memref<512xf32, #tpu.memory_space<hbm>>)
    %dma_wait3A_1227 = arith.constant 512 : i32
    %dma_wait3A_1228 = tpu.memref_slice %arg17[%dma_wait3A_1227] : memref<1024xf32, #tpu.memory_space<vmem>> -> memref<512xf32, #tpu.memory_space<vmem>>
    %dma_wait3A_1229 = tpu.memref_slice %arg10[%add3A_1176] : memref<32768xf32, #tpu.memory_space<hbm>> -> memref<512xf32, #tpu.memory_space<hbm>>
    %dma_wait3A_1230 = tpu.memref_slice %arg10[%add3A_1176] : memref<32768xf32, #tpu.memory_space<hbm>> -> memref<512xf32, #tpu.memory_space<hbm>>
    %dma_wait3A_1231 = arith.constant 512 : i32
    %dma_wait3A_1232 = tpu.memref_slice %arg17[%dma_wait3A_1231] : memref<1024xf32, #tpu.memory_space<vmem>> -> memref<512xf32, #tpu.memory_space<vmem>>
    tpu.wait_dma2 semaphore(%arg19 : memref<!tpu.dma_semaphore, #tpu.memory_space<semaphore_mem>>) src(%dma_wait3A_1232 : memref<512xf32, #tpu.memory_space<vmem>>) dst(%dma_wait3A_1230 : memref<512xf32, #tpu.memory_space<hbm>>)
    %dma_wait3A_1233 = tpu.memref_slice %arg9[%mul3A_2] : memref<16384xf32, #tpu.memory_space<hbm>> -> memref<512xf32, #tpu.memory_space<hbm>>
    %dma_wait3A_1234 = tpu.memref_slice %arg9[%mul3A_2] : memref<16384xf32, #tpu.memory_space<hbm>> -> memref<512xf32, #tpu.memory_space<hbm>>
    tpu.wait_dma2 semaphore(%arg19 : memref<!tpu.dma_semaphore, #tpu.memory_space<semaphore_mem>>) src(%arg16 : memref<512xf32, #tpu.memory_space<vmem>>) dst(%dma_wait3A_1234 : memref<512xf32, #tpu.memory_space<hbm>>)
    return
  }
}

</mosaic_0001>

<sc_bundles>
// kernel: kernel.3.cloned.1.call-start
scs
__scs_entry_jumppad:
0x0: {  	(pc) =	sbr.rel $0x88, $3  }
0x1: {  	(tag) =	ssettag $0x0;
	lr =	simm.s32 $0x1  }
0x2: {  	[smem:$0x3F9C] =	sst lr;
	_ =	strace $0xD0000000  }
0x3: {  	_ = 	snop  }
0x4: {  	_ = 	snop  }
0x5: {  	_ = 	snop  }
0x6: {  	_ = 	snop  }
0x7: {  	_ = 	snop  }
__scs_overlays_trampoline_lowered:
0x8: {  	[smem:$0x3FAB] =	sst s0  }
0x9: {  	[smem:$0x3FAC] =	sst s1  }
0xa: {  	[smem:$0x3FAD] =	sst s2  }
0xb: {  	[smem:$0x3FAE] =	sst s3  }
0xc: {  	[smem:$0x3FAF] =	sst s4  }
0xd: {  	[smem:$0x3FB0] =	sst s5  }
0xe: {  	[smem:$0x3FB1] =	sst s6  }
0xf: {  	[smem:$0x3FB2] =	sst s7  }
0x10: {  	[smem:$0x3FB3] =	sst s8  }
0x11: {  	[smem:$0x3FB4] =	sst s9;
	s0 =	simm.s32 @!p0 $0x0  }
0x12: {  	s1 =	sld [smem:$0x3F9A];
	s0 =	simm.s32 @p0 $0x1  }
0x13: {  	[smem:$0x3FB5] =	sst s0;
	s0 =	simm.s32 @!p1 $0x0  }
0x14: {  	s2 =	sld [smem:$0x3F99];
	s0 =	simm.s32 @p1 $0x1  }
0x15: {  	[smem:$0x3FB6] =	sst s0;
	s0 =	simm.s32 @!p2 $0x0  }
0x16: {  	s3 =	sld [smem:$0x3FDB];
	s0 =	simm.s32 @p2 $0x1  }
0x17: {  	s4 =	simm.s32 $0x1BF5;
	[smem:$0x3FB8] =	sst s0  }
0x18: {  	s0 =	sld [smem:$0x3F9B];
	_ =	swait.ge [sflag:s4], $0x0  }
0x19: {  	s7 =	sld [smem:$0x3F9C]  }
0x1a: {  	s8 =	sadd.s32 $0xFFFFE003, lr  }
0x1b: {  	s9 =	sadd.s32 $0xFFFFFEF7, lr;
	s5 =	simm.s32 $0xFFFFFFFF;
	p2 =	slt.u32 s8, $0xFFFFF086  }
0x1c: {  	p1 =	slt.u32 s9, $0xF7A;
	s5 =	simm.s32 @!p2 $0x0  }
0x1d: {  	s5 =	simm.s32 @p1 $0x1;
	p0 =	seq.s32 s7, s2  }
0x1e: {  	s7 =	smul.u32 @!p0 $0xF7A, s2;
	p2 =	seq.s32 @!p0 s5, $0x0  }
0x1f: {  	s9 =	smul.u32 $0xF7A, s1;
	s8 =	simm.s32 @!p0 $0x1BF5;
	p2 =	por !p2, p0  }
0x20: {  	[sflag:s8] =	ssyncset.s32 @!p0 $0xFFFFF086;
	s6 =	sadd.s32 @!p0 s3, s7;
	s7 =	simm.s32 @!p0 $0x108  }
0x21: {  	s3 =	sadd.s32 s3, s9;
	s6 =	sadd.s32 @!p0 $0x88, s6;
	s7 =	simm.s32 @p2 $0x1082  }
0x22: {  	[simem:s7], [sflag:s8] =	dma.local @!p0 [hbm:s6], $0xF7A  }
0x23: {  	s9 =	sor.u32 $0xD0000000, s2;
	s6 =	simm.s32 $0x108;
	_ =	swait.ge @!p0 [sflag:s8], $0x0  }
0x24: {  	s3 =	sadd.s32 $0x88, s3;
	s6 =	simm.s32 @!p1 $0x1082;
	[sflag:s4] =	ssyncset.s32 $0xFFFFF086  }
0x25: {  	[simem:s6], [sflag:s4] =	dma.local [hbm:s3], $0xF7A  }
0x26: {  	[smem:$0x3F9C] =	sst s1;
	(tag) =	ssettag s2;
	_ =	strace s9  }
0x27: {  	s1 =	sld [smem:$0x3FAC]  }
0x28: {  	s2 =	sld [smem:$0x3FAD]  }
0x29: {  	s4 =	sld [smem:$0x3FAF]  }
0x2a: {  	p0 =	seq.s32 s5, $0x0;
	s5 =	sld [smem:$0x3FB0]  }
0x2b: {  	s6 =	sld [smem:$0x3FB1]  }
0x2c: {  	s7 =	sld [smem:$0x3FB2]  }
0x2d: {  	s3 =	simm.s32 $0x108;
	s8 =	sld [smem:$0x3FB3]  }
0x2e: {  	s3 =	simm.s32 @!p0 $0x1082;
	s9 =	sld [smem:$0x3FB4]  }
0x2f: {  	lr =	sadd.s32 s0, s3;
	s0 =	sld [smem:$0x3FAB]  }
0x30: {  	s3 =	sld [smem:$0x3FAE]  }
0x31: {  	[smem:$0x3FB7] =	sst s10  }
0x32: {  	s10 =	sld [smem:$0x3FB5];
	_ =	sdelay $0x3  }
0x33: {  	p0 =	seq.s32 s10, $0x1;
	s10 =	sld [smem:$0x3FB7];
	_ =	sdelay $0x3  }
0x34: {  	[smem:$0x3FB7] =	sst s10  }
0x35: {  	s10 =	sld [smem:$0x3FB6];
	_ =	sdelay $0x3  }
0x36: {  	p1 =	seq.s32 s10, $0x1;
	s10 =	sld [smem:$0x3FB7];
	_ =	sdelay $0x3  }
0x37: {  	[smem:$0x3FB7] =	sst s10  }
0x38: {  	s10 =	sld [smem:$0x3FB8]  }
0x39: {  	_ = 	snop;
	(pc) =	sbr.ind lr, $3  }
0x3a: {  	_ = 	snop  }
0x3b: {  	_ = 	snop  }
0x3c: {  	p2 =	seq.s32 s10, $0x1;
	s10 =	sld [smem:$0x3FB7]  }
0x3d: {  	_ =	shalt  }
0x3e: {  	_ =	shalt  }
0x3f: {  	_ =	shalt  }
0x40: {  	_ =	shalt  }
0x41: {  	_ =	shalt  }
0x42: {  	_ =	shalt  }
0x43: {  	_ =	shalt  }
0x44: {  	_ =	shalt  }
0x45: {  	_ =	shalt  }
0x46: {  	_ =	shalt  }
0x47: {  	_ =	shalt  }
0x48: {  	_ =	shalt  }
0x49: {  	_ =	shalt  }
0x4a: {  	_ =	shalt  }
0x4b: {  	_ =	shalt  }
0x4c: {  	_ =	shalt  }
0x4d: {  	_ =	shalt  }
0x4e: {  	_ =	shalt  }
0x4f: {  	_ =	shalt  }
0x50: {  	_ =	shalt  }
0x51: {  	_ =	shalt  }
0x52: {  	_ =	shalt  }
0x53: {  	_ =	shalt  }
0x54: {  	_ =	shalt  }
0x55: {  	_ =	shalt  }
0x56: {  	_ =	shalt  }
0x57: {  	_ =	shalt  }
0x58: {  	_ =	shalt  }
0x59: {  	_ =	shalt  }
0x5a: {  	_ =	shalt  }
0x5b: {  	_ =	shalt  }
0x5c: {  	_ =	shalt  }
0x5d: {  	_ =	shalt  }
0x5e: {  	_ =	shalt  }
0x5f: {  	_ =	shalt  }
0x60: {  	_ =	shalt  }
0x61: {  	_ =	shalt  }
0x62: {  	_ =	shalt  }
0x63: {  	_ =	shalt  }
0x64: {  	_ =	shalt  }
0x65: {  	_ =	shalt  }
0x66: {  	_ =	shalt  }
0x67: {  	_ =	shalt  }
0x68: {  	_ =	shalt  }
0x69: {  	_ =	shalt  }
0x6a: {  	_ =	shalt  }
0x6b: {  	_ =	shalt  }
0x6c: {  	_ =	shalt  }
0x6d: {  	_ =	shalt  }
0x6e: {  	_ =	shalt  }
0x6f: {  	_ =	shalt  }
0x70: {  	_ =	shalt  }
0x71: {  	_ =	shalt  }
0x72: {  	_ =	shalt  }
0x73: {  	_ =	shalt  }
0x74: {  	_ =	shalt  }
0x75: {  	_ =	shalt  }
0x76: {  	_ =	shalt  }
0x77: {  	_ =	shalt  }
0x78: {  	_ =	shalt  }
0x79: {  	_ =	shalt  }
0x7a: {  	_ =	shalt  }
0x7b: {  	_ =	shalt  }
0x7c: {  	_ =	shalt  }
0x7d: {  	_ =	shalt  }
0x7e: {  	_ =	shalt  }
0x7f: {  	_ =	shalt  }
0x80: {  	_ =	shalt  }
0x81: {  	_ =	shalt  }
0x82: {  	_ =	shalt  }
0x83: {  	_ =	shalt  }
0x84: {  	_ =	shalt  }
0x85: {  	_ =	shalt  }
0x86: {  	_ =	shalt  }
0x87: {  	_ =	shalt  }
.Lfunc_end0:
.L_simem_size_0:
called_computation_lowered:
.L_overlay_start_0:
0x88: {  	s2 =	sld [smem:$0x3FD9]  }
0x89: {  	s3 =	sld [smem:$0x3FFE];
	_ =	sdelay $0x1  }
0x8a: {  	s1 =	srdreg.scid  }
0x8b: {  	s0 =	sand.u32 $0x1, s1  }
0x8c: {  	s14 =	sshll.u32 s0, $0xA;
	s2 =	sadd.s32 s3, s2  }
0x8d: {  	s2 =	sadd.s32 s2, s14  }
0x8e: {  	[smem:$0x3FC3] =	sst s2  }
0x8f: {  	_ = 	snop  }
0x90: {  	s2 =	sld [smem:$0x3FD0];
	_ =	sdelay $0x1  }
0x91: {  	s15 =	sld [smem:$0x3FC7]  }
0x92: {  	s5 =	simm.s32 $0xA;
	s6 =	simm.s32 $0x10;
	s4 =	sld [smem:$0x3FC5]  }
0x93: {  	[smem:s6], [sflag:s5] =	dma.local [hbm:s2], $0x1  }
0x94: {  	_ =	swait.eq [sflag:s5], $0x1  }
0x95: {  	[sflag:s5] =	ssyncset.done $0x0  }
0x96: {  	s16 =	sld [smem:$0x11];
	[sflag:s5] =	ssyncadd.s32 $0xFFFFFFFF  }
0x97: {  	s17 =	sld [smem:$0x12];
	(tm) =	ssettm $0x1  }
0x98: {  	s18 =	sld [smem:$0x3FFB];
	_ =	sdelay $0x3  }
0x99: {  	_ =	strace s18  }
0x9a: {  	s6 =	sld [smem:$0x3FFC];
	_ =	sdelay $0x3  }
0x9b: {  	_ =	strace s6  }
0x9c: {  	s6 =	sld [smem:$0x3FFD];
	_ =	sdelay $0x3  }
0x9d: {  	_ =	strace s6  }
0x9e: {  	_ =	strace $0x8FFFFFFF  }
0x9f: {  	s19 =	sld [smem:$0x3FDB];
	_ =	sdelay $0x1  }
0xa0: {  	s7 =	simm.s32 $_scs_section_size  }
0xa1: {  	s8 =	simm.s32 $_size__tile_overlayer_lowered;
	s9 =	simm.s32 $_tile_overlayer_lowered  }
0xa2: {  	s22 =	simm.s32 $0x1BFF;
	s21 =	sshll.u32 s9, $0x1;
	s6 =	sadd.s32 s7, s19  }
0xa3: {  	s10 =	simm.s32 $0x0;
	s20 =	sshll.u32 s8, $0x1;
	s8 =	sadd.s32 s21, s6  }
0xa4: {  	[timem:s10], [sflag:s22] =	dma.local [hbm:s8], s20  }
0xa5: {  	_ =	swait.ge [sflag:s22], s20  }
0xa6: {  	s7 =	ssub.s32 $0x0, s20;
	[sflag:s22] =	ssyncset.done $0x0  }
0xa7: {  	[sflag:s22] =	ssyncadd.s32 s7;
	_ =	sdelay $0x1  }
0xa8: {  	s23 =	simm.s32 $0x1B8B  }
0xa9: {  	_ =	swait.ge [sflag:s23], $0x1  }
0xaa: {  	[sflag:s23] =	ssyncset.done $0x0  }
0xab: {  	s25 =	simm.s32 $0x1B8E;
	s24 =	sld [smem:$0x3FFE];
	[sflag:s23] =	ssyncadd.s32 $0xFFFFFFFF  }
0xac: {  	s26 =	simm.s32 $execute0_lowered;
	[smem:$0x3FD2] =	sst s25  }
0xad: {  	s8 =	sshll.u32 s26, $0x1;
	_ =	strace $0x80000046;
	[dreg:$0x1] =	wrdreg $0xFFFFFFFF  }
0xae: {  	s28 =	simm.s32 $_size_execute0_lowered;
	s6 =	sadd.s32 s6, s8;
	[dreg:$0x0] =	wrdreg $0x0  }
0xaf: {  	s8 =	sshll.u32 s28, $0x1;
	[dreg:$0x2] =	wrdreg s6  }
0xb0: {  	[dreg:$0x3] =	wrdreg s8  }
0xb1: {  	[dreg:$0x4] =	wrdreg $0xC0  }
0xb2: {  	_ =	task [dreg:s10], $0x5FFFF  }
0xb3: {  	[dreg:$0x1] =	wrdreg $0xFFFFFFFF  }
0xb4: {  	[dreg:$0x0] =	wrdreg $0x60  }
0xb5: {  	[dreg:$0x2] =	wrdreg s24  }
0xb6: {  	[dreg:$0x3] =	wrdreg s15  }
0xb7: {  	[dreg:$0x4] =	wrdreg s4  }
0xb8: {  	[dreg:$0x5] =	wrdreg s16  }
0xb9: {  	[dreg:$0x6] =	wrdreg s17  }
0xba: {  	[dreg:$0x7] =	wrdreg $0x9  }
0xbb: {  	_ =	task.clear_ibuf [dreg:s10], $0x8FFFF;
	_ =	strace $0x90000046  }
0xbc: {  	s29 =	simm.s32 $0x9;
	_ =	strace $0x80000048  }
0xbd: {  	_ =	swait.ge [sflag:s29], $0x1  }
0xbe: {  	[sflag:s29] =	ssyncadd.s32 $0xFFFFFFFF  }
0xbf: {  	_ =	strace $0x90000048  }
0xc0: {  	_ =	sfence  }
0xc1: {  	s30 =	sld [smem:$0x0];
	_ =	sdelay $0x2  }
0xc2: {  	s31 =	sshll.u32 s1, $0xD;
	s1 =	sshrl.u32 s1, $0x2  }
0xc3: {  	s3 =	sand.u32 $0x4000, s31;
	s1 =	sadd.s32 s1, s30  }
0xc4: {  	s0 =	sor.u32 s3, s0;
	s1 =	sshll.u32 s1, $0x11  }
0xc5: {  	s0 =	sor.u32 s1, s0  }
0xc6: {  	s0 =	sadd.s32 $0x8F2B, s0  }
0xc7: {  	[sflag:s0] =	ssyncadd.remote.s32 $0x1  }
0xc8: {  	_ =	sfence.sel $0xFFFF  }
0xc9: {  	[dreg:$0x0] =	wrdreg $0xFFFFFFFF;
	(pc) =	sbr.abs _section_cstart, $3  }
0xca: {  	[dreg:$0x1] =	wrdreg $0xFFFFFFFF  }
0xcb: {  	_ =	task.clear_ibuf [dreg:s10], $0x2FFFF;
	_ =	strace $0x9FFFFFFF  }
0xcc: {  	(tm) =	ssettm $0x7FFFFFFF  }
0xcd: {  	_ =	shalt  }
tec
execute0_lowered:
.L_overlay_start_1:
0x0: {  	(tag) =	ssettag $0x1  }
0x1: {  	s2 =	rddreg [dreg:$0x0]  }
0x2: {  	s1 =	rddreg [dreg:$0x1]  }
0x3: {  	s4 =	rddreg [dreg:$0x2]  }
0x4: {  	s3 =	srdreg.scid;
	s5 =	rddreg [dreg:$0x3]  }
0x5: {  	s6 =	rddreg [dreg:$0x4];
	s8 =	sand.u32 $0x1, s3;
	s3 =	simm.s32 $0x0  }
0x6: {  	s20 =	simm.s32 $0x680;
	[smem:$0x7FF] =	sst s3  }
0x7: {  	s21 =	simm.s32 $0x880;
	_ =	strace $0x80000047;
	[dreg:$0x12] =	wrdreg s20  }
0x8: {  	s22 =	simm.s32 $0xA80;
	[dreg:$0x13] =	wrdreg s21  }
0x9: {  	s23 =	simm.s32 $0xC80;
	[dreg:$0x14] =	wrdreg s22  }
0xa: {  	s24 =	simm.s32 $0xE80;
	[dreg:$0x15] =	wrdreg s23  }
0xb: {  	s0 =	stileid.u32;
	s25 =	simm.s32 $0x1080;
	[dreg:$0x16] =	wrdreg s24  }
0xc: {  	s28 =	simm.s32 $0x500;
	[dreg:$0x17] =	wrdreg s25;
	s20 =	simm.s32 $0x780  }
0xd: {  	s29 =	simm.s32 $0x380;
	s21 =	simm.s32 $0x980;
	[smem:$0x7F6] =	sst s20  }
0xe: {  	s30 =	simm.s32 $0x580;
	s22 =	simm.s32 $0xB80;
	[smem:$0x7F7] =	sst s21  }
0xf: {  	s7 =	sshll.u32 s0, $0x7;
	s23 =	simm.s32 $0xD80;
	[smem:$0x7F8] =	sst s22  }
0x10: {  	s9 =	sshll.u32 s8, $0x6;
	s24 =	simm.s32 $0xF80;
	[smem:$0x7F9] =	sst s23  }
0x11: {  	s7 =	sor.u32 s9, s7;
	s25 =	simm.s32 $0x1180;
	[smem:$0x7FA] =	sst s24  }
0x12: {  	s10 =	sadd.s32 $0x1A600, s2;
	s11 =	sadd.s32 s5, s7;
	[smem:$0x7FB] =	sst s25  }
0x13: {  	s15 =	sadd.s32 $0x19600, s2;
	s12 =	sadd.s32 s10, s7;
	[dreg:$0x9] =	wrdreg s11  }
0x14: {  	s8 =	ssub.s32 $0x2, s8;
	s17 =	sadd.s32 s15, s7;
	[dreg:$0xa] =	wrdreg s12  }
0x15: {  	s4 =	sadd.s32 s4, s7;
	s19 =	sadd.s32 s6, s7;
	[dreg:$0xf] =	wrdreg s17  }
0x16: {  	s9 =	simm.s32 $0x80;
	s26 =	sadd.s32 $0x10, s4;
	[dreg:$0x11] =	wrdreg s19  }
0x17: {  	s6 =	sadd.s32 $0x10200, s2;
	s31 =	sadd.s32 $0x20, s4;
	[dreg:$0x6] =	wrdreg s26  }
0x18: {  	s20 =	simm.s32 $0x1000;
	s0 =	sadd.s32 $0x30, s4;
	[dreg:$0x7] =	wrdreg s31  }
0x19: {  	s21 =	simm.s32 $0x1400;
	s17 =	simm.s32 $0x1500;
	[dreg:$0x8] =	wrdreg s0  }
0x1a: {  	s11 =	sor.u32 $0x800, s7;
	s19 =	simm.s32 $0x1300;
	[smem:$0x7F3] =	sst s17  }
0x1b: {  	s22 =	simm.s32 $0x1600;
	s13 =	sadd.s32 s5, s11;
	[smem:$0x7F5] =	sst s19  }
0x1c: {  	s12 =	sor.u32 $0x1000, s7;
	s14 =	sadd.s32 s10, s11;
	[dreg:$0xb] =	wrdreg s13  }
0x1d: {  	s23 =	simm.s32 $0x1200;
	s5 =	sadd.s32 s5, s12;
	[dreg:$0xc] =	wrdreg s14  }
0x1e: {  	s24 =	simm.s32 $0x280;
	s16 =	sadd.s32 s10, s12;
	[dreg:$0xd] =	wrdreg s5  }
0x1f: {  	s25 =	simm.s32 $0x480;
	s18 =	sadd.s32 s15, s11;
	[dreg:$0xe] =	wrdreg s16  }
0x20: {  	s7 =	sadd.s32 $0xC00, s2;
	s26 =	simm.s32 $0x1480;
	[dreg:$0x10] =	wrdreg s18  }
0x21: {  	s31 =	simm.s32 $0x1680;
	s0 =	sshrl.u32 s8, $0x1;
	[dreg:$0x18] =	wrdreg s26  }
0x22: {  	s10 =	simm.s32 $0x1280;
	s11 =	simm.s32 $0x700;
	[dreg:$0x19] =	wrdreg s31  }
0x23: {  	s12 =	simm.s32 $0x900;
	s15 =	simm.s32 $0xF00;
	[dreg:$0x1a] =	wrdreg s10  }
0x24: {  	s17 =	simm.s32 $0xA00;
	s19 =	simm.s32 $0xE00;
	[dreg:$0x1b] =	wrdreg s11  }
0x25: {  	s5 =	sadd.s32 $0x6E00, s2;
	s8 =	ssub.s32 s8, s0;
	[dreg:$0x1c] =	wrdreg s12  }
0x26: {  	s13 =	simm.s32 $0xB00;
	s10 =	simm.s32 $0x100;
	s14 =	simm.s32 $0xD00  }
0x27: {  	s11 =	simm.s32 $0x180;
	s12 =	simm.s32 $0x1;
	[dreg:$0x1f] =	wrdreg s15  }
0x28: {  	s16 =	simm.s32 $0x1100;
	s18 =	simm.s32 $0x1700;
	[dreg:$0x1d] =	wrdreg s13  }
0x29: {  	s15 =	simm.s32 $0x800;
	s26 =	simm.s32 $0x1580;
	[dreg:$0x1e] =	wrdreg s14  }
0x2a: {  	s31 =	simm.s32 $0x1780;
	s2 =	simm.s32 $0x2;
	[smem:$0x7F2] =	sst s16  }
0x2b: {  	s8 =	smax.u32 s8, $0x1;
	s13 =	simm.s32 $0x600;
	[smem:$0x7F4] =	sst s18  }
0x2c: {  	s14 =	simm.s32 $0x200;
	s16 =	simm.s32 $0x400;
	[smem:$0x7FC] =	sst s26  }
0x2d: {  	s18 =	simm.s32 $0xC00;
	[smem:$0x7FD] =	sst s31;
	s26 =	simm.s32 $0x300  }
.LBB2_1:
0x2e: {  	[tilespmem:s3], [sflag:$0x1] =	stream.linear.gather [hbm4b:s4+s3], $0x80, $0x38;
	[tilespmem:$0x1800] =	vst v63  }
0x2f: {  	s0 =	rddreg [dreg:$0x6]  }
0x30: {  	[tilespmem:s9], [sflag:$0x1] =	stream.linear.gather [hbm4b:s0+s3], $0x80, $0x38;
	[tilespmem:$0x1800] =	vst v63  }
0x31: {  	s31 =	rddreg [dreg:$0x7]  }
0x32: {  	[tilespmem:s10], [sflag:$0x1] =	stream.linear.gather [hbm4b:s31+s3], $0x80, $0x38;
	[tilespmem:$0x1800] =	vst v63  }
0x33: {  	s0 =	rddreg [dreg:$0x8]  }
0x34: {  	[tilespmem:s11], [sflag:$0x1] =	stream.linear.gather [hbm4b:s0+s3], $0x80, $0x38;
	[tilespmem:$0x1800] =	vst v63  }
0x35: {  	_ =	swait.ge [sflag:s12], $0x80  }
0x36: {  	[sflag:s12] =	ssyncset.done $0x0  }
0x37: {  	[sflag:s12] =	ssyncadd.s32 $0xFFFFFF80  }
0x38: {  	_ =	swait.ge [sflag:s12], $0x80  }
0x39: {  	[sflag:s12] =	ssyncset.done $0x0  }
0x3a: {  	[sflag:s12] =	ssyncadd.s32 $0xFFFFFF80  }
0x3b: {  	_ =	swait.ge [sflag:s12], $0x80  }
0x3c: {  	[sflag:s12] =	ssyncset.done $0x0  }
0x3d: {  	[sflag:s12] =	ssyncadd.s32 $0xFFFFFF80  }
0x3e: {  	_ =	swait.ge [sflag:s12], $0x80  }
0x3f: {  	[sflag:s12] =	ssyncset.done $0x0  }
0x40: {  	[sflag:s12] =	ssyncadd.s32 $0xFFFFFF80  }
0x41: {  	v0 =	vld [tilespmem:$0x0];
	_ =	sdelay $0x1  }
0x42: {  	v1 =	vld [tilespmem:$0x10];
	_ =	sdelay $0x1  }
0x43: {  	v2 =	vld [tilespmem:$0x20]  }
0x44: {  	v3 =	vadd.s32 $0x186A0, v0  }
0x45: {  	v33 =	vld [tilespmem:$0x30];
	v0 =	vadd.s32 $0x30D40, v0;
	[tilespmem:$0x200] =	vst v3  }
0x46: {  	v34 =	vadd.s32 $0x186A0, v1;
	[tilespmem:$0x400] =	vst v0  }
0x47: {  	v36 =	vld [tilespmem:$0x40];
	v35 =	vadd.s32 $0x30D40, v1;
	[tilespmem:$0x210] =	vst v34  }
0x48: {  	v37 =	vadd.s32 $0x186A0, v2;
	[tilespmem:$0x410] =	vst v35  }
0x49: {  	v39 =	vld [tilespmem:$0x50];
	v38 =	vadd.s32 $0x30D40, v2;
	[tilespmem:$0x220] =	vst v37  }
0x4a: {  	v40 =	vadd.s32 $0x186A0, v33;
	[tilespmem:$0x420] =	vst v38  }
0x4b: {  	v42 =	vld [tilespmem:$0x60];
	v41 =	vadd.s32 $0x30D40, v33;
	[tilespmem:$0x230] =	vst v40  }
0x4c: {  	v43 =	vadd.s32 $0x186A0, v36;
	[tilespmem:$0x430] =	vst v41  }
0x4d: {  	v45 =	vld [tilespmem:$0x70];
	v44 =	vadd.s32 $0x30D40, v36;
	[tilespmem:$0x240] =	vst v43  }
0x4e: {  	v46 =	vadd.s32 $0x186A0, v39;
	[tilespmem:$0x440] =	vst v44  }
0x4f: {  	v48 =	vld [tilespmem:$0x80];
	v47 =	vadd.s32 $0x30D40, v39;
	[tilespmem:$0x250] =	vst v46  }
0x50: {  	v49 =	vadd.s32 $0x186A0, v42;
	[tilespmem:$0x450] =	vst v47  }
0x51: {  	v51 =	vld [tilespmem:$0x90];
	v50 =	vadd.s32 $0x30D40, v42;
	[tilespmem:$0x260] =	vst v49  }
0x52: {  	v52 =	vadd.s32 $0x186A0, v45;
	[tilespmem:$0x460] =	vst v50  }
0x53: {  	v54 =	vld [tilespmem:$0xA0];
	v53 =	vadd.s32 $0x30D40, v45;
	[tilespmem:$0x270] =	vst v52  }
0x54: {  	v55 =	vadd.s32 $0x186A0, v48;
	[tilespmem:$0x470] =	vst v53  }
0x55: {  	v57 =	vld [tilespmem:$0xB0];
	v56 =	vadd.s32 $0x30D40, v48;
	[tilespmem:$0x280] =	vst v55  }
0x56: {  	v58 =	vadd.s32 $0x186A0, v51;
	[tilespmem:$0x480] =	vst v56  }
0x57: {  	v60 =	vld [tilespmem:$0xC0];
	v59 =	vadd.s32 $0x30D40, v51;
	[tilespmem:$0x290] =	vst v58  }
0x58: {  	v61 =	vadd.s32 $0x186A0, v54;
	[tilespmem:$0x490] =	vst v59  }
0x59: {  	v63 =	vld [tilespmem:$0xD0];
	v62 =	vadd.s32 $0x30D40, v54;
	[tilespmem:$0x2A0] =	vst v61  }
0x5a: {  	v4 =	vadd.s32 $0x186A0, v57;
	[tilespmem:$0x4A0] =	vst v62  }
0x5b: {  	v6 =	vld [tilespmem:$0xE0];
	v5 =	vadd.s32 $0x30D40, v57;
	[tilespmem:$0x2B0] =	vst v4  }
0x5c: {  	v7 =	vadd.s32 $0x186A0, v60;
	[tilespmem:$0x4B0] =	vst v5  }
0x5d: {  	v9 =	vld [tilespmem:$0xF0];
	v8 =	vadd.s32 $0x30D40, v60;
	[tilespmem:$0x2C0] =	vst v7  }
0x5e: {  	v10 =	vadd.s32 $0x186A0, v63;
	[tilespmem:$0x4C0] =	vst v8  }
0x5f: {  	v12 =	vld [tilespmem:$0x100];
	v11 =	vadd.s32 $0x30D40, v63;
	[tilespmem:$0x2D0] =	vst v10  }
0x60: {  	v13 =	vadd.s32 $0x186A0, v6;
	[tilespmem:$0x4D0] =	vst v11  }
0x61: {  	v15 =	vld [tilespmem:$0x110];
	v14 =	vadd.s32 $0x30D40, v6;
	[tilespmem:$0x2E0] =	vst v13  }
0x62: {  	v16 =	vadd.s32 $0x186A0, v9;
	[tilespmem:$0x4E0] =	vst v14  }
0x63: {  	v18 =	vld [tilespmem:$0x120];
	v17 =	vadd.s32 $0x30D40, v9;
	[tilespmem:$0x2F0] =	vst v16  }
0x64: {  	v19 =	vadd.s32 $0x186A0, v12;
	[tilespmem:$0x4F0] =	vst v17  }
0x65: {  	v21 =	vld [tilespmem:$0x130];
	v20 =	vadd.s32 $0x30D40, v12;
	[tilespmem:$0x300] =	vst v19  }
0x66: {  	v22 =	vadd.s32 $0x186A0, v15;
	[tilespmem:$0x500] =	vst v20  }
0x67: {  	v24 =	vld [tilespmem:$0x140];
	v23 =	vadd.s32 $0x30D40, v15;
	[tilespmem:$0x310] =	vst v22  }
0x68: {  	v25 =	vadd.s32 $0x186A0, v18;
	[tilespmem:$0x510] =	vst v23  }
0x69: {  	v27 =	vld [tilespmem:$0x150];
	v26 =	vadd.s32 $0x30D40, v18;
	[tilespmem:$0x320] =	vst v25  }
0x6a: {  	v28 =	vadd.s32 $0x186A0, v21;
	[tilespmem:$0x520] =	vst v26  }
0x6b: {  	v30 =	vld [tilespmem:$0x160];
	v29 =	vadd.s32 $0x30D40, v21;
	[tilespmem:$0x330] =	vst v28  }
0x6c: {  	v31 =	vadd.s32 $0x186A0, v24;
	[tilespmem:$0x530] =	vst v29  }
0x6d: {  	v32 =	vadd.s32 $0x30D40, v24;
	v33 =	vld [tilespmem:$0x170];
	[tilespmem:$0x340] =	vst v31  }
0x6e: {  	[tilespmem:$0x540] =	vst v32;
	v34 =	vadd.s32 $0x186A0, v27  }
0x6f: {  	v36 =	vld [tilespmem:$0x180];
	v35 =	vadd.s32 $0x30D40, v27;
	[tilespmem:$0x350] =	vst v34  }
0x70: {  	v37 =	vadd.s32 $0x186A0, v30;
	[tilespmem:$0x550] =	vst v35  }
0x71: {  	v39 =	vld [tilespmem:$0x190];
	v38 =	vadd.s32 $0x30D40, v30;
	[tilespmem:$0x360] =	vst v37  }
0x72: {  	[tilespmem:$0x560] =	vst v38;
	v40 =	vadd.s32 $0x186A0, v33  }
0x73: {  	v42 =	vld [tilespmem:$0x1A0];
	v41 =	vadd.s32 $0x30D40, v33;
	[tilespmem:$0x370] =	vst v40  }
0x74: {  	v43 =	vadd.s32 $0x186A0, v36;
	[tilespmem:$0x570] =	vst v41  }
0x75: {  	v45 =	vld [tilespmem:$0x1B0];
	v44 =	vadd.s32 $0x30D40, v36;
	[tilespmem:$0x380] =	vst v43  }
0x76: {  	v46 =	vadd.s32 $0x186A0, v39;
	[tilespmem:$0x580] =	vst v44  }
0x77: {  	v48 =	vld [tilespmem:$0x1C0];
	v47 =	vadd.s32 $0x30D40, v39;
	[tilespmem:$0x390] =	vst v46  }
0x78: {  	v49 =	vadd.s32 $0x186A0, v42;
	[tilespmem:$0x590] =	vst v47  }
0x79: {  	v51 =	vld [tilespmem:$0x1D0];
	v50 =	vadd.s32 $0x30D40, v42;
	[tilespmem:$0x3A0] =	vst v49  }
0x7a: {  	v52 =	vadd.s32 $0x186A0, v45;
	[tilespmem:$0x5A0] =	vst v50  }
0x7b: {  	v54 =	vld [tilespmem:$0x1E0];
	v53 =	vadd.s32 $0x30D40, v45;
	[tilespmem:$0x3B0] =	vst v52  }
0x7c: {  	v55 =	vadd.s32 $0x186A0, v48;
	[tilespmem:$0x5B0] =	vst v53  }
0x7d: {  	v57 =	vld [tilespmem:$0x1F0];
	v56 =	vadd.s32 $0x30D40, v48;
	[tilespmem:$0x3C0] =	vst v55  }
0x7e: {  	v58 =	vadd.s32 $0x186A0, v51;
	[tilespmem:$0x5C0] =	vst v56  }
0x7f: {  	v59 =	vadd.s32 $0x30D40, v51;
	[tilespmem:$0x3D0] =	vst v58  }
0x80: {  	v60 =	vadd.s32 $0x186A0, v54;
	[tilespmem:$0x5D0] =	vst v59  }
0x81: {  	v61 =	vadd.s32 $0x30D40, v54;
	[tilespmem:$0x3E0] =	vst v60  }
0x82: {  	v62 =	vadd.s32 $0x186A0, v57;
	[tilespmem:$0x5E0] =	vst v61  }
0x83: {  	v63 =	vadd.s32 $0x30D40, v57;
	[tilespmem:$0x3F0] =	vst v62  }
0x84: {  	[tilespmem:$0x5F0] =	vst v63  }
0x85: {  	[tilespmem:s13], [sflag:$0x1] =	stream.indirect.gather [hbm4b:s5+s9], $0x1, s3, s9, $0xb8;
	[tilespmem:$0x1800] =	vst v63  }
0x86: {  	_ = 	snop  }
0x87: {  	[tilespmem:s15], [sflag:$0x1] =	stream.indirect.gather [hbm4b:s5+s9], $0x1, s14, s9, $0xb8;
	[tilespmem:$0x1800] =	vst v63  }
0x88: {  	_ = 	snop  }
0x89: {  	[tilespmem:s17], [sflag:$0x1] =	stream.indirect.gather [hbm4b:s5+s9], $0x1, s16, s9, $0xb8;
	[tilespmem:$0x1800] =	vst v63  }
0x8a: {  	_ = 	snop  }
0x8b: {  	[tilespmem:s18], [sflag:$0x1] =	stream.indirect.gather [hbm4b:s6+s9], $0x1, s3, s9, $0xb8;
	[tilespmem:$0x1800] =	vst v63  }
0x8c: {  	_ = 	snop  }
0x8d: {  	[tilespmem:s19], [sflag:$0x1] =	stream.indirect.gather [hbm4b:s6+s9], $0x1, s14, s9, $0xb8;
	[tilespmem:$0x1800] =	vst v63  }
0x8e: {  	_ = 	snop  }
0x8f: {  	[tilespmem:s20], [sflag:$0x1] =	stream.indirect.gather [hbm4b:s6+s9], $0x1, s16, s9, $0xb8;
	[tilespmem:$0x1800] =	vst v63  }
0x90: {  	_ = 	snop  }
0x91: {  	[tilespmem:s21], [sflag:$0x1] =	stream.indirect.gather [hbm4b:s7+s9], $0x1, s3, s9, $0xb8;
	[tilespmem:$0x1800] =	vst v63  }
0x92: {  	_ = 	snop  }
0x93: {  	[tilespmem:s22], [sflag:$0x1] =	stream.indirect.gather [hbm4b:s7+s9], $0x1, s14, s9, $0xb8;
	[tilespmem:$0x1800] =	vst v63  }
0x94: {  	s0 =	rddreg [dreg:$0x12]  }
0x95: {  	[tilespmem:s23], [sflag:$0x1] =	stream.indirect.gather [hbm4b:s1+s9], $0x1, s3, s9, $0xb8;
	[tilespmem:$0x1800] =	vst v63  }
0x96: {  	s31 =	rddreg [dreg:$0x13]  }
0x97: {  	[tilespmem:s0], [sflag:$0x1] =	stream.indirect.gather [hbm4b:s5+s9], $0x1, s9, s9, $0xb8;
	[tilespmem:$0x1800] =	vst v63  }
0x98: {  	s0 =	rddreg [dreg:$0x14]  }
0x99: {  	[tilespmem:s31], [sflag:$0x1] =	stream.indirect.gather [hbm4b:s5+s9], $0x1, s24, s9, $0xb8;
	[tilespmem:$0x1800] =	vst v63  }
0x9a: {  	s31 =	rddreg [dreg:$0x15]  }
0x9b: {  	[tilespmem:s0], [sflag:$0x1] =	stream.indirect.gather [hbm4b:s5+s9], $0x1, s25, s9, $0xb8;
	[tilespmem:$0x1800] =	vst v63  }
0x9c: {  	s0 =	rddreg [dreg:$0x16]  }
0x9d: {  	[tilespmem:s31], [sflag:$0x1] =	stream.indirect.gather [hbm4b:s6+s9], $0x1, s9, s9, $0xb8;
	[tilespmem:$0x1800] =	vst v63  }
0x9e: {  	s31 =	rddreg [dreg:$0x17]  }
0x9f: {  	[tilespmem:s0], [sflag:$0x1] =	stream.indirect.gather [hbm4b:s6+s9], $0x1, s24, s9, $0xb8;
	[tilespmem:$0x1800] =	vst v63  }
0xa0: {  	s0 =	rddreg [dreg:$0x18]  }
0xa1: {  	[tilespmem:s31], [sflag:$0x1] =	stream.indirect.gather [hbm4b:s6+s9], $0x1, s25, s9, $0xb8;
	[tilespmem:$0x1800] =	vst v63  }
0xa2: {  	s31 =	rddreg [dreg:$0x19]  }
0xa3: {  	[tilespmem:s0], [sflag:$0x1] =	stream.indirect.gather [hbm4b:s7+s9], $0x1, s9, s9, $0xb8;
	[tilespmem:$0x1800] =	vst v63  }
0xa4: {  	s0 =	rddreg [dreg:$0x1a]  }
0xa5: {  	[tilespmem:s31], [sflag:$0x1] =	stream.indirect.gather [hbm4b:s7+s9], $0x1, s24, s9, $0xb8;
	[tilespmem:$0x1800] =	vst v63  }
0xa6: {  	s31 =	rddreg [dreg:$0x1b]  }
0xa7: {  	[tilespmem:s0], [sflag:$0x1] =	stream.indirect.gather [hbm4b:s1+s9], $0x1, s9, s9, $0xb8;
	[tilespmem:$0x1800] =	vst v63  }
0xa8: {  	s0 =	rddreg [dreg:$0x1c]  }
0xa9: {  	[tilespmem:s31], [sflag:$0x1] =	stream.indirect.gather [hbm4b:s5+s9], $0x1, s10, s9, $0xb8;
	[tilespmem:$0x1800] =	vst v63  }
0xaa: {  	s31 =	rddreg [dreg:$0x1d]  }
0xab: {  	[tilespmem:s0], [sflag:$0x1] =	stream.indirect.gather [hbm4b:s5+s9], $0x1, s26, s9, $0xb8;
	[tilespmem:$0x1800] =	vst v63  }
0xac: {  	s0 =	rddreg [dreg:$0x1e]  }
0xad: {  	[tilespmem:s31], [sflag:$0x1] =	stream.indirect.gather [hbm4b:s5+s9], $0x1, s28, s9, $0xb8;
	[tilespmem:$0x1800] =	vst v63  }
0xae: {  	s31 =	rddreg [dreg:$0x1f]  }
0xaf: {  	[tilespmem:s0], [sflag:$0x1] =	stream.indirect.gather [hbm4b:s6+s9], $0x1, s10, s9, $0xb8;
	[tilespmem:$0x1800] =	vst v63  }
0xb0: {  	s0 =	sld [smem:$0x7F2]  }
0xb1: {  	[tilespmem:s31], [sflag:$0x1] =	stream.indirect.gather [hbm4b:s6+s9], $0x1, s26, s9, $0xb8;
	[tilespmem:$0x1800] =	vst v63  }
0xb2: {  	s31 =	sld [smem:$0x7F3]  }
0xb3: {  	[tilespmem:s0], [sflag:$0x1] =	stream.indirect.gather [hbm4b:s6+s9], $0x1, s28, s9, $0xb8;
	[tilespmem:$0x1800] =	vst v63  }
0xb4: {  	s0 =	sld [smem:$0x7F4]  }
0xb5: {  	[tilespmem:s31], [sflag:$0x1] =	stream.indirect.gather [hbm4b:s7+s9], $0x1, s10, s9, $0xb8;
	[tilespmem:$0x1800] =	vst v63  }
0xb6: {  	s31 =	sld [smem:$0x7F5]  }
0xb7: {  	[tilespmem:s0], [sflag:$0x1] =	stream.indirect.gather [hbm4b:s7+s9], $0x1, s26, s9, $0xb8;
	[tilespmem:$0x1800] =	vst v63  }
0xb8: {  	s0 =	sld [smem:$0x7F6]  }
0xb9: {  	[tilespmem:s31], [sflag:$0x1] =	stream.indirect.gather [hbm4b:s1+s9], $0x1, s10, s9, $0xb8;
	[tilespmem:$0x1800] =	vst v63  }
0xba: {  	s31 =	sld [smem:$0x7F7]  }
0xbb: {  	[tilespmem:s0], [sflag:$0x1] =	stream.indirect.gather [hbm4b:s5+s9], $0x1, s11, s9, $0xb8;
	[tilespmem:$0x1800] =	vst v63  }
0xbc: {  	s0 =	sld [smem:$0x7F8]  }
0xbd: {  	[tilespmem:s31], [sflag:$0x1] =	stream.indirect.gather [hbm4b:s5+s9], $0x1, s29, s9, $0xb8;
	[tilespmem:$0x1800] =	vst v63  }
0xbe: {  	s31 =	sld [smem:$0x7F9]  }
0xbf: {  	[tilespmem:s0], [sflag:$0x1] =	stream.indirect.gather [hbm4b:s5+s9], $0x1, s30, s9, $0xb8;
	[tilespmem:$0x1800] =	vst v63  }
0xc0: {  	s0 =	sld [smem:$0x7FA]  }
0xc1: {  	[tilespmem:s31], [sflag:$0x1] =	stream.indirect.gather [hbm4b:s6+s9], $0x1, s11, s9, $0xb8;
	[tilespmem:$0x1800] =	vst v63  }
0xc2: {  	s31 =	sld [smem:$0x7FB]  }
0xc3: {  	[tilespmem:s0], [sflag:$0x1] =	stream.indirect.gather [hbm4b:s6+s9], $0x1, s29, s9, $0xb8;
	[tilespmem:$0x1800] =	vst v63  }
0xc4: {  	s0 =	sld [smem:$0x7FC]  }
0xc5: {  	[tilespmem:s31], [sflag:$0x1] =	stream.indirect.gather [hbm4b:s6+s9], $0x1, s30, s9, $0xb8;
	[tilespmem:$0x1800] =	vst v63  }
0xc6: {  	s31 =	sld [smem:$0x7FD]  }
0xc7: {  	[tilespmem:s0], [sflag:$0x1] =	stream.indirect.gather [hbm4b:s7+s9], $0x1, s11, s9, $0xb8;
	[tilespmem:$0x1800] =	vst v63  }
0xc8: {  	_ = 	snop  }
0xc9: {  	[tilespmem:s31], [sflag:$0x1] =	stream.indirect.gather [hbm4b:s7+s9], $0x1, s29, s9, $0xb8;
	[tilespmem:$0x1800] =	vst v63  }
0xca: {  	s31 =	simm.s32 $0x1380  }
0xcb: {  	[tilespmem:s31], [sflag:$0x1] =	stream.indirect.gather [hbm4b:s1+s9], $0x1, s11, s9, $0xb8;
	[tilespmem:$0x1800] =	vst v63  }
0xcc: {  	_ =	swait.ge [sflag:s12], $0x600  }
0xcd: {  	[sflag:s12] =	ssyncset.done $0x0  }
0xce: {  	[sflag:s12] =	ssyncadd.s32 $0xFFFFFA00  }
0xcf: {  	_ =	swait.ge [sflag:s12], $0x600  }
0xd0: {  	[sflag:s12] =	ssyncset.done $0x0  }
0xd1: {  	[sflag:s12] =	ssyncadd.s32 $0xFFFFFA00  }
0xd2: {  	_ =	swait.ge [sflag:s12], $0x200  }
0xd3: {  	[sflag:s12] =	ssyncset.done $0x0  }
0xd4: {  	[sflag:s12] =	ssyncadd.s32 $0xFFFFFE00  }
0xd5: {  	_ =	swait.ge [sflag:s12], $0x400  }
0xd6: {  	[sflag:s12] =	ssyncset.done $0x0  }
0xd7: {  	s0 =	rddreg [dreg:$0x9];
	[sflag:s12] =	ssyncadd.s32 $0xFFFFFC00  }
0xd8: {  	[hbm4b:s0+s3] =	stream.linear.scatter [tilespmem:s13], [sflag:$0x2], $0x200, $0x38;
	[tilespmem:$0x1800] =	vst v63  }
0xd9: {  	s31 =	rddreg [dreg:$0xa]  }
0xda: {  	[hbm4b:s31+s3] =	stream.linear.scatter [tilespmem:s18], [sflag:$0x2], $0x200, $0x38;
	[tilespmem:$0x1800] =	vst v63  }
0xdb: {  	s0 =	rddreg [dreg:$0xb]  }
0xdc: {  	[hbm4b:s0+s3] =	stream.linear.scatter [tilespmem:s15], [sflag:$0x2], $0x200, $0x38;
	[tilespmem:$0x1800] =	vst v63  }
0xdd: {  	s31 =	rddreg [dreg:$0xc]  }
0xde: {  	[hbm4b:s31+s3] =	stream.linear.scatter [tilespmem:s19], [sflag:$0x2], $0x200, $0x38;
	[tilespmem:$0x1800] =	vst v63  }
0xdf: {  	s0 =	rddreg [dreg:$0xd]  }
0xe0: {  	[hbm4b:s0+s3] =	stream.linear.scatter [tilespmem:s17], [sflag:$0x2], $0x200, $0x38;
	[tilespmem:$0x1800] =	vst v63  }
0xe1: {  	s31 =	rddreg [dreg:$0xe]  }
0xe2: {  	[hbm4b:s31+s3] =	stream.linear.scatter [tilespmem:s20], [sflag:$0x2], $0x200, $0x38;
	[tilespmem:$0x1800] =	vst v63  }
0xe3: {  	s0 =	rddreg [dreg:$0xf]  }
0xe4: {  	[hbm4b:s0+s3] =	stream.linear.scatter [tilespmem:s21], [sflag:$0x2], $0x200, $0x38;
	[tilespmem:$0x1800] =	vst v63  }
0xe5: {  	s31 =	rddreg [dreg:$0x10]  }
0xe6: {  	[hbm4b:s31+s3] =	stream.linear.scatter [tilespmem:s22], [sflag:$0x2], $0x200, $0x38;
	[tilespmem:$0x1800] =	vst v63  }
0xe7: {  	s0 =	rddreg [dreg:$0x11]  }
0xe8: {  	[hbm4b:s0+s3] =	stream.linear.scatter [tilespmem:s23], [sflag:$0x2], $0x200, $0x38;
	[tilespmem:$0x1800] =	vst v63  }
0xe9: {  	_ =	swait.ge [sflag:s2], $0x200  }
0xea: {  	[sflag:s2] =	ssyncset.done $0x0  }
0xeb: {  	[sflag:s2] =	ssyncadd.s32 $0xFFFFFE00  }
0xec: {  	_ =	swait.ge [sflag:s2], $0x200  }
0xed: {  	[sflag:s2] =	ssyncset.done $0x0  }
0xee: {  	[sflag:s2] =	ssyncadd.s32 $0xFFFFFE00  }
0xef: {  	_ =	swait.ge [sflag:s2], $0x200  }
0xf0: {  	[sflag:s2] =	ssyncset.done $0x0  }
0xf1: {  	[sflag:s2] =	ssyncadd.s32 $0xFFFFFE00  }
0xf2: {  	_ =	swait.ge [sflag:s2], $0x200  }
0xf3: {  	[sflag:s2] =	ssyncset.done $0x0  }
0xf4: {  	[sflag:s2] =	ssyncadd.s32 $0xFFFFFE00  }
0xf5: {  	_ =	swait.ge [sflag:s2], $0x200  }
0xf6: {  	[sflag:s2] =	ssyncset.done $0x0  }
0xf7: {  	[sflag:s2] =	ssyncadd.s32 $0xFFFFFE00  }
0xf8: {  	_ =	swait.ge [sflag:s2], $0x200  }
0xf9: {  	[sflag:s2] =	ssyncset.done $0x0  }
0xfa: {  	[sflag:s2] =	ssyncadd.s32 $0xFFFFFE00  }
0xfb: {  	_ =	swait.ge [sflag:s2], $0x200  }
0xfc: {  	[sflag:s2] =	ssyncset.done $0x0  }
0xfd: {  	[sflag:s2] =	ssyncadd.s32 $0xFFFFFE00  }
0xfe: {  	p0 =	sne.s32 s8, $0x1;
	_ =	swait.ge [sflag:s2], $0x200  }
.Ltmp0:
0xff: {  	[sflag:s2] =	ssyncset.done $0x0;
	(pc) =	sbr.rel @p0 .LBB2_1-.Ltmp0, $4  }
0x100: {  	[sflag:s2] =	ssyncadd.s32 $0xFFFFFE00  }
0x101: {  	_ =	swait.ge [sflag:s2], $0x200  }
0x102: {  	[sflag:s2] =	ssyncset.done $0x0  }
0x103: {  	s8 =	sadd.s32 $0xFFFFFFFF, s8;
	[sflag:s2] =	ssyncadd.s32 $0xFFFFFE00  }
0x104: {  	_ =	sfence.sel $0x180000  }
0x105: {  	[bflag:$0x0] =	sbarrier.arrive $0xFFFF  }
0x106: {  	_ =	strace $0x90000047  }
0x107: {  	s0 =	stileid.u32;
	[bflag:$0x2] =	sbarrier.arrive $0xFFFF  }
0x108: {  	p0 =	sne.s32 s0, $0x0;
	s0 =	rddreg [dreg:$0x5]  }
0x109: {  	s0 =	sadd.s32 @!p0 $0x100000, s0  }
0x10a: {  	[sflag:s0] =	ssyncadd.tile.s32 @!p0 $0x1;
	_ =	shalt  }
.Lfunc_end2:
_tile_overlayer_lowered:
.L_overlay_start_2:
0x10b: {  	(tag) =	ssettag $0x2  }
0x10c: {  	s0 =	rddreg [dreg:$0x0];
	s2 =	stileid.u32  }
0x10d: {  	s1 =	rddreg [dreg:$0x1];
	p0 =	sne.s32 s2, $0x0  }
0x10e: {  	s3 =	rddreg [dreg:$0x2];
	[bflag:$0x3] =	sbarrier.arrive $0xFFFF;
	s2 =	simm.s32 @!p0 $0x1C03  }
0x10f: {  	[timem:s3], [sflag:s2] =	dma.local @!p0 [hbm:s0], s1  }
0x110: {  	s0 =	simm.s32 @!p0 $0x3  }
0x111: {  	_ =	swait.ge @!p0 [sflag:s0], s1  }
0x112: {  	s1 =	ssub.s32 @!p0 $0x0, s1;
	[sflag:s0] =	ssyncset.done @!p0 $0x0  }
0x113: {  	[sflag:s0] =	ssyncadd.s32 @!p0 s1  }
0x114: {  	[bflag:$0x3] =	sbarrier.arrive $0xFFFF  }
0x115: {  	_ =	shalt  }

</sc_bundles>
